<compile_context>
chip_gen: v7x
topology: tpu7x:2x2x1
jax: 0.10.2.dev20260603
libtpu: 0.0.44.dev20260713+nightly
codegen_flags: <defaults>
</compile_context>

<pallas_src>
import jax
import jax.numpy as jnp
from jax import lax
from jax.experimental import pallas as pl
from jax.experimental.pallas import tpu as pltpu
from jax.experimental.pallas import tpu_sc as plsc

NUM_HARMONICS = 64
NUM_ENTRIES = 100000
BATCH = 16384

NC, NS, L = 2, 16, 16
NW = NC * NS
RPW = NUM_HARMONICS // NW
ECHUNK = 4096
NECHUNK = BATCH // ECHUNK


def _body(idxf_hbm, tab_t_hbm, out_t_hbm,
          row_v, idxf_v, out_v, row_sem, idx_sem, out_sems):
    wid = lax.axis_index("s") * NC + lax.axis_index("c")

    zeros = jnp.zeros((L,), jnp.int32)
    idx_cp = pltpu.async_copy(idxf_hbm, idxf_v, idx_sem)
    out_inflight = {}
    for r in range(RPW):
        c = wid * RPW + r
        pltpu.async_copy(tab_t_hbm.at[pl.ds(c, 1)], row_v, row_sem).wait()
        if r == 0:
            idx_cp.wait()
        for k in range(NECHUNK):
            s = k & 1
            key = (r, k - 2)
            if key in out_inflight:
                out_inflight.pop(key).wait()

            def group_body(g, carry, k=k, s=s):
                for u in range(2):
                    gb = pl.ds(k * ECHUNK + (2 * g + u) * L, L)
                    f = idxf_v[gb]
                    lov = jnp.minimum(f.astype(jnp.int32), NUM_ENTRIES - 2)
                    av = f - lov.astype(jnp.float32)
                    x = plsc.load_gather(row_v, [zeros, lov])
                    y = plsc.load_gather(row_v, [zeros, lov + 1])
                    out_v[s, 0, pl.ds((2 * g + u) * L, L)] = x + av * (y - x)
                return carry

            lax.fori_loop(0, ECHUNK // (2 * L), group_body, 0)
            out_inflight[(r, k)] = pltpu.async_copy(
                out_v.at[s],
                out_t_hbm.at[pl.ds(c, 1), pl.ds(k * ECHUNK, ECHUNK)],
                out_sems[s])

    for key in sorted(out_inflight):
        out_inflight[key].wait()


@jax.jit
def _run(dial_2d, table):
    idx_f = dial_2d[:, 0] * float(NUM_ENTRIES - 1)

    mapper = pl.kernel(
        _body,
        out_type=jax.ShapeDtypeStruct((NUM_HARMONICS, BATCH), jnp.float32),
        mesh=plsc.VectorSubcoreMesh(
            core_axis_name="c", subcore_axis_name="s",
            num_cores=NC, num_subcores=NS),
        compiler_params=pltpu.CompilerParams(
            use_tc_tiling_on_sc=False, needs_layout_passes=False),
        scratch_types=[
            pltpu.VMEM((1, NUM_ENTRIES), jnp.float32),
            pltpu.VMEM((BATCH,), jnp.float32),
            pltpu.VMEM((2, 1, ECHUNK), jnp.float32),
            pltpu.SemaphoreType.DMA,
            pltpu.SemaphoreType.DMA,
            [pltpu.SemaphoreType.DMA] * 2,
        ],
    )
    out_t = mapper(idx_f, table.T)
    return out_t.T


def kernel(wave_dial_normalized, table):
    return _run(wave_dial_normalized, table)

# --- scband reference (transcript-rebuilt; emitter-appended) ---
"""Pipeline reference for scband-osc-wave-mapper-33337536152367 (READ-ONLY COPY).

The authoritative reference and input builder live on the scoring server;
editing this copy changes nothing except your own understanding.
"""

import jax, jax.numpy as jnp
import numpy as np

NUM_HARMONICS = 64
NUM_ENTRIES = 100000
BATCH = 16384

def setup_inputs(seed: int = 0) -> dict:
    key = jax.random.key(seed)
    k1 = jax.random.fold_in(key, 1)
    wave_dial_normalized = jax.random.uniform(k1, (BATCH, 1), dtype=jnp.float32)
    table = jnp.zeros((NUM_ENTRIES, NUM_HARMONICS), dtype=jnp.float32).at[:, 0].set(1.0)
    return {"wave_dial_normalized": wave_dial_normalized, "table": table}

def reference(wave_dial_normalized, table):
    num_entries = table.shape[0]
    idx_float = wave_dial_normalized * (num_entries - 1)
    idx_lower = jnp.floor(idx_float).astype(jnp.int32)
    idx_upper = jnp.ceil(idx_float).astype(jnp.int32)
    alpha = idx_float - idx_lower.astype(jnp.float32)
    idx_lower = jnp.clip(idx_lower, 0, num_entries - 1)
    idx_upper = jnp.clip(idx_upper, 0, num_entries - 1)
    lower_vals = jnp.take(table, idx_lower[:, 0], axis=0)
    upper_vals = jnp.take(table, idx_upper[:, 0], axis=0)
    return lower_vals * (1.0 - alpha) + upper_vals * alpha

if __name__ == "__main__":
    import jax
    _d = setup_inputs()
    print(jax.jit(kernel)(*tuple(_d.values())))

</pallas_src>

<mosaic_0001>
#map = affine_map<(d0, d1) -> (0)>
#map1 = affine_map<(d0, d1) -> (0, 0)>
module attributes {stable_mosaic.version = 14 : i64} {
  func.func @_body(%arg0: i32, %arg1: i32, %arg2: memref<16384xf32, #tpu.memory_space<hbm>>, %arg3: memref<64x100000xf32, #tpu.memory_space<hbm>>, %arg4: memref<64x16384xf32, #tpu.memory_space<hbm>>, %arg5: memref<1x100000xf32, #tpu.memory_space<vmem>>, %arg6: memref<16384xf32, #tpu.memory_space<vmem>>, %arg7: memref<2x1x4096xf32, #tpu.memory_space<vmem>>, %arg8: memref<!tpu.dma_semaphore, #tpu.memory_space<semaphore_mem>>, %arg9: memref<!tpu.dma_semaphore, #tpu.memory_space<semaphore_mem>>, %arg10: memref<!tpu.dma_semaphore, #tpu.memory_space<semaphore_mem>>, %arg11: memref<!tpu.dma_semaphore, #tpu.memory_space<semaphore_mem>>) attributes {dimension_semantics = [#tpu.dimension_semantics<core_parallel>, #tpu.dimension_semantics<subcore_parallel>], iteration_bounds = array<i64: 2, 16>, scalar_prefetch = 0 : i64, scratch_operands = 7 : i64, tpu.core_type = #tpu.core_type<sc_vector_subcore>, window_params = [{transform_indices = #map}, {transform_indices = #map1}, {transform_indices = #map1}]} {
    %mul3A = arith.constant 2 : i32
    %mul3A_0 = arith.muli %arg1, %mul3A : i32
    %add3A = arith.addi %mul3A_0, %arg0 : i32
    %broadcast_in_dim3A = arith.constant 0 : i32
    %broadcast_in_dim3A_1 = vector.broadcast %broadcast_in_dim3A : i32 to vector<16xi32>
    tpu.enqueue_dma source(%arg2 : memref<16384xf32, #tpu.memory_space<hbm>>) target(%arg6 : memref<16384xf32, #tpu.memory_space<vmem>>) target_semaphore(%arg9 : memref<!tpu.dma_semaphore, #tpu.memory_space<semaphore_mem>>)
    %mul3A_2 = arith.constant 2 : i32
    %mul3A_3 = arith.muli %add3A, %mul3A_2 : i32
    %add3A_4 = arith.constant 0 : i32
    %add3A_5 = arith.addi %mul3A_3, %add3A_4 : i32
    %dma_start3A = arith.constant 0 : i32
    %dma_start3A_6 = tpu.memref_slice %arg3[%add3A_5, %dma_start3A] : memref<64x100000xf32, #tpu.memory_space<hbm>> -> memref<1x100000xf32, #tpu.memory_space<hbm>>
    %dma_start3A_7 = arith.constant 0 : i32
    %dma_start3A_8 = tpu.memref_slice %arg3[%add3A_5, %dma_start3A_7] : memref<64x100000xf32, #tpu.memory_space<hbm>> -> memref<1x100000xf32, #tpu.memory_space<hbm>>
    tpu.enqueue_dma source(%dma_start3A_8 : memref<1x100000xf32, #tpu.memory_space<hbm>>) target(%arg5 : memref<1x100000xf32, #tpu.memory_space<vmem>>) target_semaphore(%arg8 : memref<!tpu.dma_semaphore, #tpu.memory_space<semaphore_mem>>)
    %dma_wait3A = arith.constant 0 : i32
    %dma_wait3A_9 = tpu.memref_slice %arg3[%add3A_5, %dma_wait3A] : memref<64x100000xf32, #tpu.memory_space<hbm>> -> memref<1x100000xf32, #tpu.memory_space<hbm>>
    %dma_wait3A_10 = arith.constant 0 : i32
    %dma_wait3A_11 = tpu.memref_slice %arg3[%add3A_5, %dma_wait3A_10] : memref<64x100000xf32, #tpu.memory_space<hbm>> -> memref<1x100000xf32, #tpu.memory_space<hbm>>
    tpu.wait_dma2 semaphore(%arg8 : memref<!tpu.dma_semaphore, #tpu.memory_space<semaphore_mem>>) src(%dma_wait3A_11 : memref<1x100000xf32, #tpu.memory_space<hbm>>) dst(%arg5 : memref<1x100000xf32, #tpu.memory_space<vmem>>)
    tpu.wait_dma2 semaphore(%arg9 : memref<!tpu.dma_semaphore, #tpu.memory_space<semaphore_mem>>) src(%arg2 : memref<16384xf32, #tpu.memory_space<hbm>>) dst(%arg6 : memref<16384xf32, #tpu.memory_space<vmem>>)
    %scan3A = arith.constant 0 : i32
    %scan3A_12 = arith.constant 0 : i32
    %scan3A_13 = arith.constant 128 : i32
    %scan3A_14 = arith.addi %scan3A_12, %scan3A_13 : i32
    %scan3A_15 = arith.constant 1 : i32
    scf.for %scan3A_279 = %scan3A_12 to %scan3A_14 step %scan3A_15  : i32 {
      %mul3A_280 = arith.constant 2 : i32
      %mul3A_281 = arith.muli %mul3A_280, %scan3A_279 : i32
      %add3A_282 = arith.constant 0 : i32
      %add3A_283 = arith.addi %mul3A_281, %add3A_282 : i32
      %mul3A_284 = arith.constant 16 : i32
      %mul3A_285 = arith.muli %add3A_283, %mul3A_284 : i32
      %add3A_286 = arith.constant 0 : i32
      %add3A_287 = arith.addi %add3A_286, %mul3A_285 : i32
      %get3A = arith.index_cast %add3A_287 : i32 to index
      %get3A_288 = tpu.vector_load %arg6[%get3A] {strides = array<i32>} : memref<16384xf32, #tpu.memory_space<vmem>>, vector<16xf32>,
      %convert_element_type3A = arith.fptosi %get3A_288 : vector<16xf32> to vector<16xi32>
      %min3A = arith.constant 99998 : i32
      %min3A_289 = vector.broadcast %min3A : i32 to vector<16xi32>
      %min3A_290 = arith.minsi %convert_element_type3A, %min3A_289 : vector<16xi32>
      %convert_element_type3A_291 = arith.sitofp %min3A_290 : vector<16xi32> to vector<16xf32>
      %sub3A = arith.subf %get3A_288, %convert_element_type3A_291 : vector<16xf32>
      %gather3A = tpu.vector_load_idx %arg5[%broadcast_in_dim3A_1, %min3A_290] : memref<1x100000xf32, #tpu.memory_space<vmem>>[vector<16xi32>, vector<16xi32>], vector<16xf32>,
      %add3A_292 = arith.constant 1 : i32
      %add3A_293 = vector.broadcast %add3A_292 : i32 to vector<16xi32>
      %add3A_294 = arith.addi %min3A_290, %add3A_293 : vector<16xi32>
      %gather3A_295 = tpu.vector_load_idx %arg5[%broadcast_in_dim3A_1, %add3A_294] : memref<1x100000xf32, #tpu.memory_space<vmem>>[vector<16xi32>, vector<16xi32>], vector<16xf32>,
      %sub3A_296 = arith.subf %gather3A_295, %gather3A : vector<16xf32>
      %mul3A_297 = arith.mulf %sub3A, %sub3A_296 : vector<16xf32>
      %add3A_298 = arith.addf %gather3A, %mul3A_297 : vector<16xf32>
      %mul3A_299 = arith.constant 2 : i32
      %mul3A_300 = arith.muli %mul3A_299, %scan3A_279 : i32
      %add3A_301 = arith.constant 0 : i32
      %add3A_302 = arith.addi %mul3A_300, %add3A_301 : i32
      %mul3A_303 = arith.constant 16 : i32
      %mul3A_304 = arith.muli %add3A_302, %mul3A_303 : i32
      %swap3A = arith.constant 0 : i32
      %swap3A_305 = arith.constant 0 : i32
      %swap3A_306 = arith.index_cast %swap3A : i32 to index
      %swap3A_307 = arith.index_cast %swap3A_305 : i32 to index
      %swap3A_308 = arith.index_cast %mul3A_304 : i32 to index
      %swap3A_309 = tpu.vector_load %arg7[%swap3A_306, %swap3A_307, %swap3A_308] {strides = array<i32>} : memref<2x1x4096xf32, #tpu.memory_space<vmem>>, vector<16xf32>,
      tpu.vector_store %arg7[%swap3A_306, %swap3A_307, %swap3A_308], %add3A_298 {strides = array<i32>} : memref<2x1x4096xf32, #tpu.memory_space<vmem>>, vector<16xf32>,
      %mul3A_310 = arith.constant 2 : i32
      %mul3A_311 = arith.muli %mul3A_310, %scan3A_279 : i32
      %add3A_312 = arith.constant 1 : i32
      %add3A_313 = arith.addi %mul3A_311, %add3A_312 : i32
      %mul3A_314 = arith.constant 16 : i32
      %mul3A_315 = arith.muli %add3A_313, %mul3A_314 : i32
      %add3A_316 = arith.constant 0 : i32
      %add3A_317 = arith.addi %add3A_316, %mul3A_315 : i32
      %get3A_318 = arith.index_cast %add3A_317 : i32 to index
      %get3A_319 = tpu.vector_load %arg6[%get3A_318] {strides = array<i32>} : memref<16384xf32, #tpu.memory_space<vmem>>, vector<16xf32>,
      %convert_element_type3A_320 = arith.fptosi %get3A_319 : vector<16xf32> to vector<16xi32>
      %min3A_321 = arith.constant 99998 : i32
      %min3A_322 = vector.broadcast %min3A_321 : i32 to vector<16xi32>
      %min3A_323 = arith.minsi %convert_element_type3A_320, %min3A_322 : vector<16xi32>
      %convert_element_type3A_324 = arith.sitofp %min3A_323 : vector<16xi32> to vector<16xf32>
      %sub3A_325 = arith.subf %get3A_319, %convert_element_type3A_324 : vector<16xf32>
      %gather3A_326 = tpu.vector_load_idx %arg5[%broadcast_in_dim3A_1, %min3A_323] : memref<1x100000xf32, #tpu.memory_space<vmem>>[vector<16xi32>, vector<16xi32>], vector<16xf32>,
      %add3A_327 = arith.constant 1 : i32
      %add3A_328 = vector.broadcast %add3A_327 : i32 to vector<16xi32>
      %add3A_329 = arith.addi %min3A_323, %add3A_328 : vector<16xi32>
      %gather3A_330 = tpu.vector_load_idx %arg5[%broadcast_in_dim3A_1, %add3A_329] : memref<1x100000xf32, #tpu.memory_space<vmem>>[vector<16xi32>, vector<16xi32>], vector<16xf32>,
      %sub3A_331 = arith.subf %gather3A_330, %gather3A_326 : vector<16xf32>
      %mul3A_332 = arith.mulf %sub3A_325, %sub3A_331 : vector<16xf32>
      %add3A_333 = arith.addf %gather3A_326, %mul3A_332 : vector<16xf32>
      %mul3A_334 = arith.constant 2 : i32
      %mul3A_335 = arith.muli %mul3A_334, %scan3A_279 : i32
      %add3A_336 = arith.constant 1 : i32
      %add3A_337 = arith.addi %mul3A_335, %add3A_336 : i32
      %mul3A_338 = arith.constant 16 : i32
      %mul3A_339 = arith.muli %add3A_337, %mul3A_338 : i32
      %swap3A_340 = arith.constant 0 : i32
      %swap3A_341 = arith.constant 0 : i32
      %swap3A_342 = arith.index_cast %swap3A_340 : i32 to index
      %swap3A_343 = arith.index_cast %swap3A_341 : i32 to index
      %swap3A_344 = arith.index_cast %mul3A_339 : i32 to index
      %swap3A_345 = tpu.vector_load %arg7[%swap3A_342, %swap3A_343, %swap3A_344] {strides = array<i32>} : memref<2x1x4096xf32, #tpu.memory_space<vmem>>, vector<16xf32>,
      tpu.vector_store %arg7[%swap3A_342, %swap3A_343, %swap3A_344], %add3A_333 {strides = array<i32>} : memref<2x1x4096xf32, #tpu.memory_space<vmem>>, vector<16xf32>,
    }
    %scan3A_16 = arith.constant 128 : i32
    %dma_start3A_17 = arith.constant 0 : i32
    %dma_start3A_18 = arith.constant 0 : i32
    %dma_start3A_19 = arith.constant 0 : i32
    %dma_start3A_20 = tpu.memref_slice %arg7[%dma_start3A_17, %dma_start3A_18, %dma_start3A_19] : memref<2x1x4096xf32, #tpu.memory_space<vmem>> -> memref<1x1x4096xf32, #tpu.memory_space<vmem>>
    %dma_start3A_21 = tpu.memref_squeeze %dma_start3A_20 : memref<1x1x4096xf32, #tpu.memory_space<vmem>> -> memref<1x4096xf32, #tpu.memory_space<vmem>>
    %dma_start3A_22 = arith.constant 0 : i32
    %dma_start3A_23 = tpu.memref_slice %arg4[%add3A_5, %dma_start3A_22] : memref<64x16384xf32, #tpu.memory_space<hbm>> -> memref<1x4096xf32, #tpu.memory_space<hbm>>
    %dma_start3A_24 = arith.constant 0 : i32
    %dma_start3A_25 = tpu.memref_slice %arg4[%add3A_5, %dma_start3A_24] : memref<64x16384xf32, #tpu.memory_space<hbm>> -> memref<1x4096xf32, #tpu.memory_space<hbm>>
    %dma_start3A_26 = arith.constant 0 : i32
    %dma_start3A_27 = arith.constant 0 : i32
    %dma_start3A_28 = tpu.memref_slice %arg7[%dma_start3A_17, %dma_start3A_26, %dma_start3A_27] : memref<2x1x4096xf32, #tpu.memory_space<vmem>> -> memref<1x1x4096xf32, #tpu.memory_space<vmem>>
    %dma_start3A_29 = tpu.memref_squeeze %dma_start3A_28 : memref<1x1x4096xf32, #tpu.memory_space<vmem>> -> memref<1x4096xf32, #tpu.memory_space<vmem>>
    tpu.enqueue_dma source(%dma_start3A_29 : memref<1x4096xf32, #tpu.memory_space<vmem>>) target(%dma_start3A_25 : memref<1x4096xf32, #tpu.memory_space<hbm>>) target_semaphore(%arg10 : memref<!tpu.dma_semaphore, #tpu.memory_space<semaphore_mem>>)
    %scan3A_30 = arith.constant 0 : i32
    %scan3A_31 = arith.constant 0 : i32
    %scan3A_32 = arith.constant 128 : i32
    %scan3A_33 = arith.addi %scan3A_31, %scan3A_32 : i32
    %scan3A_34 = arith.constant 1 : i32
    scf.for %scan3A_279 = %scan3A_31 to %scan3A_33 step %scan3A_34  : i32 {
      %mul3A_280 = arith.constant 2 : i32
      %mul3A_281 = arith.muli %mul3A_280, %scan3A_279 : i32
      %add3A_282 = arith.constant 0 : i32
      %add3A_283 = arith.addi %mul3A_281, %add3A_282 : i32
      %mul3A_284 = arith.constant 16 : i32
      %mul3A_285 = arith.muli %add3A_283, %mul3A_284 : i32
      %add3A_286 = arith.constant 4096 : i32
      %add3A_287 = arith.addi %add3A_286, %mul3A_285 : i32
      %get3A = arith.index_cast %add3A_287 : i32 to index
      %get3A_288 = tpu.vector_load %arg6[%get3A] {strides = array<i32>} : memref<16384xf32, #tpu.memory_space<vmem>>, vector<16xf32>,
      %convert_element_type3A = arith.fptosi %get3A_288 : vector<16xf32> to vector<16xi32>
      %min3A = arith.constant 99998 : i32
      %min3A_289 = vector.broadcast %min3A : i32 to vector<16xi32>
      %min3A_290 = arith.minsi %convert_element_type3A, %min3A_289 : vector<16xi32>
      %convert_element_type3A_291 = arith.sitofp %min3A_290 : vector<16xi32> to vector<16xf32>
      %sub3A = arith.subf %get3A_288, %convert_element_type3A_291 : vector<16xf32>
      %gather3A = tpu.vector_load_idx %arg5[%broadcast_in_dim3A_1, %min3A_290] : memref<1x100000xf32, #tpu.memory_space<vmem>>[vector<16xi32>, vector<16xi32>], vector<16xf32>,
      %add3A_292 = arith.constant 1 : i32
      %add3A_293 = vector.broadcast %add3A_292 : i32 to vector<16xi32>
      %add3A_294 = arith.addi %min3A_290, %add3A_293 : vector<16xi32>
      %gather3A_295 = tpu.vector_load_idx %arg5[%broadcast_in_dim3A_1, %add3A_294] : memref<1x100000xf32, #tpu.memory_space<vmem>>[vector<16xi32>, vector<16xi32>], vector<16xf32>,
      %sub3A_296 = arith.subf %gather3A_295, %gather3A : vector<16xf32>
      %mul3A_297 = arith.mulf %sub3A, %sub3A_296 : vector<16xf32>
      %add3A_298 = arith.addf %gather3A, %mul3A_297 : vector<16xf32>
      %mul3A_299 = arith.constant 2 : i32
      %mul3A_300 = arith.muli %mul3A_299, %scan3A_279 : i32
      %add3A_301 = arith.constant 0 : i32
      %add3A_302 = arith.addi %mul3A_300, %add3A_301 : i32
      %mul3A_303 = arith.constant 16 : i32
      %mul3A_304 = arith.muli %add3A_302, %mul3A_303 : i32
      %swap3A = arith.constant 1 : i32
      %swap3A_305 = arith.constant 0 : i32
      %swap3A_306 = arith.index_cast %swap3A : i32 to index
      %swap3A_307 = arith.index_cast %swap3A_305 : i32 to index
      %swap3A_308 = arith.index_cast %mul3A_304 : i32 to index
      %swap3A_309 = tpu.vector_load %arg7[%swap3A_306, %swap3A_307, %swap3A_308] {strides = array<i32>} : memref<2x1x4096xf32, #tpu.memory_space<vmem>>, vector<16xf32>,
      tpu.vector_store %arg7[%swap3A_306, %swap3A_307, %swap3A_308], %add3A_298 {strides = array<i32>} : memref<2x1x4096xf32, #tpu.memory_space<vmem>>, vector<16xf32>,
      %mul3A_310 = arith.constant 2 : i32
      %mul3A_311 = arith.muli %mul3A_310, %scan3A_279 : i32
      %add3A_312 = arith.constant 1 : i32
      %add3A_313 = arith.addi %mul3A_311, %add3A_312 : i32
      %mul3A_314 = arith.constant 16 : i32
      %mul3A_315 = arith.muli %add3A_313, %mul3A_314 : i32
      %add3A_316 = arith.constant 4096 : i32
      %add3A_317 = arith.addi %add3A_316, %mul3A_315 : i32
      %get3A_318 = arith.index_cast %add3A_317 : i32 to index
      %get3A_319 = tpu.vector_load %arg6[%get3A_318] {strides = array<i32>} : memref<16384xf32, #tpu.memory_space<vmem>>, vector<16xf32>,
      %convert_element_type3A_320 = arith.fptosi %get3A_319 : vector<16xf32> to vector<16xi32>
      %min3A_321 = arith.constant 99998 : i32
      %min3A_322 = vector.broadcast %min3A_321 : i32 to vector<16xi32>
      %min3A_323 = arith.minsi %convert_element_type3A_320, %min3A_322 : vector<16xi32>
      %convert_element_type3A_324 = arith.sitofp %min3A_323 : vector<16xi32> to vector<16xf32>
      %sub3A_325 = arith.subf %get3A_319, %convert_element_type3A_324 : vector<16xf32>
      %gather3A_326 = tpu.vector_load_idx %arg5[%broadcast_in_dim3A_1, %min3A_323] : memref<1x100000xf32, #tpu.memory_space<vmem>>[vector<16xi32>, vector<16xi32>], vector<16xf32>,
      %add3A_327 = arith.constant 1 : i32
      %add3A_328 = vector.broadcast %add3A_327 : i32 to vector<16xi32>
      %add3A_329 = arith.addi %min3A_323, %add3A_328 : vector<16xi32>
      %gather3A_330 = tpu.vector_load_idx %arg5[%broadcast_in_dim3A_1, %add3A_329] : memref<1x100000xf32, #tpu.memory_space<vmem>>[vector<16xi32>, vector<16xi32>], vector<16xf32>,
      %sub3A_331 = arith.subf %gather3A_330, %gather3A_326 : vector<16xf32>
      %mul3A_332 = arith.mulf %sub3A_325, %sub3A_331 : vector<16xf32>
      %add3A_333 = arith.addf %gather3A_326, %mul3A_332 : vector<16xf32>
      %mul3A_334 = arith.constant 2 : i32
      %mul3A_335 = arith.muli %mul3A_334, %scan3A_279 : i32
      %add3A_336 = arith.constant 1 : i32
      %add3A_337 = arith.addi %mul3A_335, %add3A_336 : i32
      %mul3A_338 = arith.constant 16 : i32
      %mul3A_339 = arith.muli %add3A_337, %mul3A_338 : i32
      %swap3A_340 = arith.constant 1 : i32
      %swap3A_341 = arith.constant 0 : i32
      %swap3A_342 = arith.index_cast %swap3A_340 : i32 to index
      %swap3A_343 = arith.index_cast %swap3A_341 : i32 to index
      %swap3A_344 = arith.index_cast %mul3A_339 : i32 to index
      %swap3A_345 = tpu.vector_load %arg7[%swap3A_342, %swap3A_343, %swap3A_344] {strides = array<i32>} : memref<2x1x4096xf32, #tpu.memory_space<vmem>>, vector<16xf32>,
      tpu.vector_store %arg7[%swap3A_342, %swap3A_343, %swap3A_344], %add3A_333 {strides = array<i32>} : memref<2x1x4096xf32, #tpu.memory_space<vmem>>, vector<16xf32>,
    }
    %scan3A_35 = arith.constant 128 : i32
    %dma_start3A_36 = arith.constant 1 : i32
    %dma_start3A_37 = arith.constant 0 : i32
    %dma_start3A_38 = arith.constant 0 : i32
    %dma_start3A_39 = tpu.memref_slice %arg7[%dma_start3A_36, %dma_start3A_37, %dma_start3A_38] : memref<2x1x4096xf32, #tpu.memory_space<vmem>> -> memref<1x1x4096xf32, #tpu.memory_space<vmem>>
    %dma_start3A_40 = tpu.memref_squeeze %dma_start3A_39 : memref<1x1x4096xf32, #tpu.memory_space<vmem>> -> memref<1x4096xf32, #tpu.memory_space<vmem>>
    %dma_start3A_41 = arith.constant 4096 : i32
    %dma_start3A_42 = tpu.memref_slice %arg4[%add3A_5, %dma_start3A_41] : memref<64x16384xf32, #tpu.memory_space<hbm>> -> memref<1x4096xf32, #tpu.memory_space<hbm>>
    %dma_start3A_43 = arith.constant 4096 : i32
    %dma_start3A_44 = tpu.memref_slice %arg4[%add3A_5, %dma_start3A_43] : memref<64x16384xf32, #tpu.memory_space<hbm>> -> memref<1x4096xf32, #tpu.memory_space<hbm>>
    %dma_start3A_45 = arith.constant 0 : i32
    %dma_start3A_46 = arith.constant 0 : i32
    %dma_start3A_47 = tpu.memref_slice %arg7[%dma_start3A_36, %dma_start3A_45, %dma_start3A_46] : memref<2x1x4096xf32, #tpu.memory_space<vmem>> -> memref<1x1x4096xf32, #tpu.memory_space<vmem>>
    %dma_start3A_48 = tpu.memref_squeeze %dma_start3A_47 : memref<1x1x4096xf32, #tpu.memory_space<vmem>> -> memref<1x4096xf32, #tpu.memory_space<vmem>>
    tpu.enqueue_dma source(%dma_start3A_48 : memref<1x4096xf32, #tpu.memory_space<vmem>>) target(%dma_start3A_44 : memref<1x4096xf32, #tpu.memory_space<hbm>>) target_semaphore(%arg11 : memref<!tpu.dma_semaphore, #tpu.memory_space<semaphore_mem>>)
    %dma_wait3A_49 = arith.constant 0 : i32
    %dma_wait3A_50 = arith.constant 0 : i32
    %dma_wait3A_51 = arith.constant 0 : i32
    %dma_wait3A_52 = tpu.memref_slice %arg7[%dma_wait3A_49, %dma_wait3A_50, %dma_wait3A_51] : memref<2x1x4096xf32, #tpu.memory_space<vmem>> -> memref<1x1x4096xf32, #tpu.memory_space<vmem>>
    %dma_wait3A_53 = tpu.memref_squeeze %dma_wait3A_52 : memref<1x1x4096xf32, #tpu.memory_space<vmem>> -> memref<1x4096xf32, #tpu.memory_space<vmem>>
    %dma_wait3A_54 = arith.constant 0 : i32
    %dma_wait3A_55 = tpu.memref_slice %arg4[%add3A_5, %dma_wait3A_54] : memref<64x16384xf32, #tpu.memory_space<hbm>> -> memref<1x4096xf32, #tpu.memory_space<hbm>>
    %dma_wait3A_56 = arith.constant 0 : i32
    %dma_wait3A_57 = tpu.memref_slice %arg4[%add3A_5, %dma_wait3A_56] : memref<64x16384xf32, #tpu.memory_space<hbm>> -> memref<1x4096xf32, #tpu.memory_space<hbm>>
    %dma_wait3A_58 = arith.constant 0 : i32
    %dma_wait3A_59 = arith.constant 0 : i32
    %dma_wait3A_60 = tpu.memref_slice %arg7[%dma_wait3A_49, %dma_wait3A_58, %dma_wait3A_59] : memref<2x1x4096xf32, #tpu.memory_space<vmem>> -> memref<1x1x4096xf32, #tpu.memory_space<vmem>>
    %dma_wait3A_61 = tpu.memref_squeeze %dma_wait3A_60 : memref<1x1x4096xf32, #tpu.memory_space<vmem>> -> memref<1x4096xf32, #tpu.memory_space<vmem>>
    tpu.wait_dma2 semaphore(%arg10 : memref<!tpu.dma_semaphore, #tpu.memory_space<semaphore_mem>>) src(%dma_wait3A_61 : memref<1x4096xf32, #tpu.memory_space<vmem>>) dst(%dma_wait3A_57 : memref<1x4096xf32, #tpu.memory_space<hbm>>)
    %scan3A_62 = arith.constant 0 : i32
    %scan3A_63 = arith.constant 0 : i32
    %scan3A_64 = arith.constant 128 : i32
    %scan3A_65 = arith.addi %scan3A_63, %scan3A_64 : i32
    %scan3A_66 = arith.constant 1 : i32
    scf.for %scan3A_279 = %scan3A_63 to %scan3A_65 step %scan3A_66  : i32 {
      %mul3A_280 = arith.constant 2 : i32
      %mul3A_281 = arith.muli %mul3A_280, %scan3A_279 : i32
      %add3A_282 = arith.constant 0 : i32
      %add3A_283 = arith.addi %mul3A_281, %add3A_282 : i32
      %mul3A_284 = arith.constant 16 : i32
      %mul3A_285 = arith.muli %add3A_283, %mul3A_284 : i32
      %add3A_286 = arith.constant 8192 : i32
      %add3A_287 = arith.addi %add3A_286, %mul3A_285 : i32
      %get3A = arith.index_cast %add3A_287 : i32 to index
      %get3A_288 = tpu.vector_load %arg6[%get3A] {strides = array<i32>} : memref<16384xf32, #tpu.memory_space<vmem>>, vector<16xf32>,
      %convert_element_type3A = arith.fptosi %get3A_288 : vector<16xf32> to vector<16xi32>
      %min3A = arith.constant 99998 : i32
      %min3A_289 = vector.broadcast %min3A : i32 to vector<16xi32>
      %min3A_290 = arith.minsi %convert_element_type3A, %min3A_289 : vector<16xi32>
      %convert_element_type3A_291 = arith.sitofp %min3A_290 : vector<16xi32> to vector<16xf32>
      %sub3A = arith.subf %get3A_288, %convert_element_type3A_291 : vector<16xf32>
      %gather3A = tpu.vector_load_idx %arg5[%broadcast_in_dim3A_1, %min3A_290] : memref<1x100000xf32, #tpu.memory_space<vmem>>[vector<16xi32>, vector<16xi32>], vector<16xf32>,
      %add3A_292 = arith.constant 1 : i32
      %add3A_293 = vector.broadcast %add3A_292 : i32 to vector<16xi32>
      %add3A_294 = arith.addi %min3A_290, %add3A_293 : vector<16xi32>
      %gather3A_295 = tpu.vector_load_idx %arg5[%broadcast_in_dim3A_1, %add3A_294] : memref<1x100000xf32, #tpu.memory_space<vmem>>[vector<16xi32>, vector<16xi32>], vector<16xf32>,
      %sub3A_296 = arith.subf %gather3A_295, %gather3A : vector<16xf32>
      %mul3A_297 = arith.mulf %sub3A, %sub3A_296 : vector<16xf32>
      %add3A_298 = arith.addf %gather3A, %mul3A_297 : vector<16xf32>
      %mul3A_299 = arith.constant 2 : i32
      %mul3A_300 = arith.muli %mul3A_299, %scan3A_279 : i32
      %add3A_301 = arith.constant 0 : i32
      %add3A_302 = arith.addi %mul3A_300, %add3A_301 : i32
      %mul3A_303 = arith.constant 16 : i32
      %mul3A_304 = arith.muli %add3A_302, %mul3A_303 : i32
      %swap3A = arith.constant 0 : i32
      %swap3A_305 = arith.constant 0 : i32
      %swap3A_306 = arith.index_cast %swap3A : i32 to index
      %swap3A_307 = arith.index_cast %swap3A_305 : i32 to index
      %swap3A_308 = arith.index_cast %mul3A_304 : i32 to index
      %swap3A_309 = tpu.vector_load %arg7[%swap3A_306, %swap3A_307, %swap3A_308] {strides = array<i32>} : memref<2x1x4096xf32, #tpu.memory_space<vmem>>, vector<16xf32>,
      tpu.vector_store %arg7[%swap3A_306, %swap3A_307, %swap3A_308], %add3A_298 {strides = array<i32>} : memref<2x1x4096xf32, #tpu.memory_space<vmem>>, vector<16xf32>,
      %mul3A_310 = arith.constant 2 : i32
      %mul3A_311 = arith.muli %mul3A_310, %scan3A_279 : i32
      %add3A_312 = arith.constant 1 : i32
      %add3A_313 = arith.addi %mul3A_311, %add3A_312 : i32
      %mul3A_314 = arith.constant 16 : i32
      %mul3A_315 = arith.muli %add3A_313, %mul3A_314 : i32
      %add3A_316 = arith.constant 8192 : i32
      %add3A_317 = arith.addi %add3A_316, %mul3A_315 : i32
      %get3A_318 = arith.index_cast %add3A_317 : i32 to index
      %get3A_319 = tpu.vector_load %arg6[%get3A_318] {strides = array<i32>} : memref<16384xf32, #tpu.memory_space<vmem>>, vector<16xf32>,
      %convert_element_type3A_320 = arith.fptosi %get3A_319 : vector<16xf32> to vector<16xi32>
      %min3A_321 = arith.constant 99998 : i32
      %min3A_322 = vector.broadcast %min3A_321 : i32 to vector<16xi32>
      %min3A_323 = arith.minsi %convert_element_type3A_320, %min3A_322 : vector<16xi32>
      %convert_element_type3A_324 = arith.sitofp %min3A_323 : vector<16xi32> to vector<16xf32>
      %sub3A_325 = arith.subf %get3A_319, %convert_element_type3A_324 : vector<16xf32>
      %gather3A_326 = tpu.vector_load_idx %arg5[%broadcast_in_dim3A_1, %min3A_323] : memref<1x100000xf32, #tpu.memory_space<vmem>>[vector<16xi32>, vector<16xi32>], vector<16xf32>,
      %add3A_327 = arith.constant 1 : i32
      %add3A_328 = vector.broadcast %add3A_327 : i32 to vector<16xi32>
      %add3A_329 = arith.addi %min3A_323, %add3A_328 : vector<16xi32>
      %gather3A_330 = tpu.vector_load_idx %arg5[%broadcast_in_dim3A_1, %add3A_329] : memref<1x100000xf32, #tpu.memory_space<vmem>>[vector<16xi32>, vector<16xi32>], vector<16xf32>,
      %sub3A_331 = arith.subf %gather3A_330, %gather3A_326 : vector<16xf32>
      %mul3A_332 = arith.mulf %sub3A_325, %sub3A_331 : vector<16xf32>
      %add3A_333 = arith.addf %gather3A_326, %mul3A_332 : vector<16xf32>
      %mul3A_334 = arith.constant 2 : i32
      %mul3A_335 = arith.muli %mul3A_334, %scan3A_279 : i32
      %add3A_336 = arith.constant 1 : i32
      %add3A_337 = arith.addi %mul3A_335, %add3A_336 : i32
      %mul3A_338 = arith.constant 16 : i32
      %mul3A_339 = arith.muli %add3A_337, %mul3A_338 : i32
      %swap3A_340 = arith.constant 0 : i32
      %swap3A_341 = arith.constant 0 : i32
      %swap3A_342 = arith.index_cast %swap3A_340 : i32 to index
      %swap3A_343 = arith.index_cast %swap3A_341 : i32 to index
      %swap3A_344 = arith.index_cast %mul3A_339 : i32 to index
      %swap3A_345 = tpu.vector_load %arg7[%swap3A_342, %swap3A_343, %swap3A_344] {strides = array<i32>} : memref<2x1x4096xf32, #tpu.memory_space<vmem>>, vector<16xf32>,
      tpu.vector_store %arg7[%swap3A_342, %swap3A_343, %swap3A_344], %add3A_333 {strides = array<i32>} : memref<2x1x4096xf32, #tpu.memory_space<vmem>>, vector<16xf32>,
    }
    %scan3A_67 = arith.constant 128 : i32
    %dma_start3A_68 = arith.constant 0 : i32
    %dma_start3A_69 = arith.constant 0 : i32
    %dma_start3A_70 = arith.constant 0 : i32
    %dma_start3A_71 = tpu.memref_slice %arg7[%dma_start3A_68, %dma_start3A_69, %dma_start3A_70] : memref<2x1x4096xf32, #tpu.memory_space<vmem>> -> memref<1x1x4096xf32, #tpu.memory_space<vmem>>
    %dma_start3A_72 = tpu.memref_squeeze %dma_start3A_71 : memref<1x1x4096xf32, #tpu.memory_space<vmem>> -> memref<1x4096xf32, #tpu.memory_space<vmem>>
    %dma_start3A_73 = arith.constant 8192 : i32
    %dma_start3A_74 = tpu.memref_slice %arg4[%add3A_5, %dma_start3A_73] : memref<64x16384xf32, #tpu.memory_space<hbm>> -> memref<1x4096xf32, #tpu.memory_space<hbm>>
    %dma_start3A_75 = arith.constant 8192 : i32
    %dma_start3A_76 = tpu.memref_slice %arg4[%add3A_5, %dma_start3A_75] : memref<64x16384xf32, #tpu.memory_space<hbm>> -> memref<1x4096xf32, #tpu.memory_space<hbm>>
    %dma_start3A_77 = arith.constant 0 : i32
    %dma_start3A_78 = arith.constant 0 : i32
    %dma_start3A_79 = tpu.memref_slice %arg7[%dma_start3A_68, %dma_start3A_77, %dma_start3A_78] : memref<2x1x4096xf32, #tpu.memory_space<vmem>> -> memref<1x1x4096xf32, #tpu.memory_space<vmem>>
    %dma_start3A_80 = tpu.memref_squeeze %dma_start3A_79 : memref<1x1x4096xf32, #tpu.memory_space<vmem>> -> memref<1x4096xf32, #tpu.memory_space<vmem>>
    tpu.enqueue_dma source(%dma_start3A_80 : memref<1x4096xf32, #tpu.memory_space<vmem>>) target(%dma_start3A_76 : memref<1x4096xf32, #tpu.memory_space<hbm>>) target_semaphore(%arg10 : memref<!tpu.dma_semaphore, #tpu.memory_space<semaphore_mem>>)
    %dma_wait3A_81 = arith.constant 1 : i32
    %dma_wait3A_82 = arith.constant 0 : i32
    %dma_wait3A_83 = arith.constant 0 : i32
    %dma_wait3A_84 = tpu.memref_slice %arg7[%dma_wait3A_81, %dma_wait3A_82, %dma_wait3A_83] : memref<2x1x4096xf32, #tpu.memory_space<vmem>> -> memref<1x1x4096xf32, #tpu.memory_space<vmem>>
    %dma_wait3A_85 = tpu.memref_squeeze %dma_wait3A_84 : memref<1x1x4096xf32, #tpu.memory_space<vmem>> -> memref<1x4096xf32, #tpu.memory_space<vmem>>
    %dma_wait3A_86 = arith.constant 4096 : i32
    %dma_wait3A_87 = tpu.memref_slice %arg4[%add3A_5, %dma_wait3A_86] : memref<64x16384xf32, #tpu.memory_space<hbm>> -> memref<1x4096xf32, #tpu.memory_space<hbm>>
    %dma_wait3A_88 = arith.constant 4096 : i32
    %dma_wait3A_89 = tpu.memref_slice %arg4[%add3A_5, %dma_wait3A_88] : memref<64x16384xf32, #tpu.memory_space<hbm>> -> memref<1x4096xf32, #tpu.memory_space<hbm>>
    %dma_wait3A_90 = arith.constant 0 : i32
    %dma_wait3A_91 = arith.constant 0 : i32
    %dma_wait3A_92 = tpu.memref_slice %arg7[%dma_wait3A_81, %dma_wait3A_90, %dma_wait3A_91] : memref<2x1x4096xf32, #tpu.memory_space<vmem>> -> memref<1x1x4096xf32, #tpu.memory_space<vmem>>
    %dma_wait3A_93 = tpu.memref_squeeze %dma_wait3A_92 : memref<1x1x4096xf32, #tpu.memory_space<vmem>> -> memref<1x4096xf32, #tpu.memory_space<vmem>>
    tpu.wait_dma2 semaphore(%arg11 : memref<!tpu.dma_semaphore, #tpu.memory_space<semaphore_mem>>) src(%dma_wait3A_93 : memref<1x4096xf32, #tpu.memory_space<vmem>>) dst(%dma_wait3A_89 : memref<1x4096xf32, #tpu.memory_space<hbm>>)
    %scan3A_94 = arith.constant 0 : i32
    %scan3A_95 = arith.constant 0 : i32
    %scan3A_96 = arith.constant 128 : i32
    %scan3A_97 = arith.addi %scan3A_95, %scan3A_96 : i32
    %scan3A_98 = arith.constant 1 : i32
    scf.for %scan3A_279 = %scan3A_95 to %scan3A_97 step %scan3A_98  : i32 {
      %mul3A_280 = arith.constant 2 : i32
      %mul3A_281 = arith.muli %mul3A_280, %scan3A_279 : i32
      %add3A_282 = arith.constant 0 : i32
      %add3A_283 = arith.addi %mul3A_281, %add3A_282 : i32
      %mul3A_284 = arith.constant 16 : i32
      %mul3A_285 = arith.muli %add3A_283, %mul3A_284 : i32
      %add3A_286 = arith.constant 12288 : i32
      %add3A_287 = arith.addi %add3A_286, %mul3A_285 : i32
      %get3A = arith.index_cast %add3A_287 : i32 to index
      %get3A_288 = tpu.vector_load %arg6[%get3A] {strides = array<i32>} : memref<16384xf32, #tpu.memory_space<vmem>>, vector<16xf32>,
      %convert_element_type3A = arith.fptosi %get3A_288 : vector<16xf32> to vector<16xi32>
      %min3A = arith.constant 99998 : i32
      %min3A_289 = vector.broadcast %min3A : i32 to vector<16xi32>
      %min3A_290 = arith.minsi %convert_element_type3A, %min3A_289 : vector<16xi32>
      %convert_element_type3A_291 = arith.sitofp %min3A_290 : vector<16xi32> to vector<16xf32>
      %sub3A = arith.subf %get3A_288, %convert_element_type3A_291 : vector<16xf32>
      %gather3A = tpu.vector_load_idx %arg5[%broadcast_in_dim3A_1, %min3A_290] : memref<1x100000xf32, #tpu.memory_space<vmem>>[vector<16xi32>, vector<16xi32>], vector<16xf32>,
      %add3A_292 = arith.constant 1 : i32
      %add3A_293 = vector.broadcast %add3A_292 : i32 to vector<16xi32>
      %add3A_294 = arith.addi %min3A_290, %add3A_293 : vector<16xi32>
      %gather3A_295 = tpu.vector_load_idx %arg5[%broadcast_in_dim3A_1, %add3A_294] : memref<1x100000xf32, #tpu.memory_space<vmem>>[vector<16xi32>, vector<16xi32>], vector<16xf32>,
      %sub3A_296 = arith.subf %gather3A_295, %gather3A : vector<16xf32>
      %mul3A_297 = arith.mulf %sub3A, %sub3A_296 : vector<16xf32>
      %add3A_298 = arith.addf %gather3A, %mul3A_297 : vector<16xf32>
      %mul3A_299 = arith.constant 2 : i32
      %mul3A_300 = arith.muli %mul3A_299, %scan3A_279 : i32
      %add3A_301 = arith.constant 0 : i32
      %add3A_302 = arith.addi %mul3A_300, %add3A_301 : i32
      %mul3A_303 = arith.constant 16 : i32
      %mul3A_304 = arith.muli %add3A_302, %mul3A_303 : i32
      %swap3A = arith.constant 1 : i32
      %swap3A_305 = arith.constant 0 : i32
      %swap3A_306 = arith.index_cast %swap3A : i32 to index
      %swap3A_307 = arith.index_cast %swap3A_305 : i32 to index
      %swap3A_308 = arith.index_cast %mul3A_304 : i32 to index
      %swap3A_309 = tpu.vector_load %arg7[%swap3A_306, %swap3A_307, %swap3A_308] {strides = array<i32>} : memref<2x1x4096xf32, #tpu.memory_space<vmem>>, vector<16xf32>,
      tpu.vector_store %arg7[%swap3A_306, %swap3A_307, %swap3A_308], %add3A_298 {strides = array<i32>} : memref<2x1x4096xf32, #tpu.memory_space<vmem>>, vector<16xf32>,
      %mul3A_310 = arith.constant 2 : i32
      %mul3A_311 = arith.muli %mul3A_310, %scan3A_279 : i32
      %add3A_312 = arith.constant 1 : i32
      %add3A_313 = arith.addi %mul3A_311, %add3A_312 : i32
      %mul3A_314 = arith.constant 16 : i32
      %mul3A_315 = arith.muli %add3A_313, %mul3A_314 : i32
      %add3A_316 = arith.constant 12288 : i32
      %add3A_317 = arith.addi %add3A_316, %mul3A_315 : i32
      %get3A_318 = arith.index_cast %add3A_317 : i32 to index
      %get3A_319 = tpu.vector_load %arg6[%get3A_318] {strides = array<i32>} : memref<16384xf32, #tpu.memory_space<vmem>>, vector<16xf32>,
      %convert_element_type3A_320 = arith.fptosi %get3A_319 : vector<16xf32> to vector<16xi32>
      %min3A_321 = arith.constant 99998 : i32
      %min3A_322 = vector.broadcast %min3A_321 : i32 to vector<16xi32>
      %min3A_323 = arith.minsi %convert_element_type3A_320, %min3A_322 : vector<16xi32>
      %convert_element_type3A_324 = arith.sitofp %min3A_323 : vector<16xi32> to vector<16xf32>
      %sub3A_325 = arith.subf %get3A_319, %convert_element_type3A_324 : vector<16xf32>
      %gather3A_326 = tpu.vector_load_idx %arg5[%broadcast_in_dim3A_1, %min3A_323] : memref<1x100000xf32, #tpu.memory_space<vmem>>[vector<16xi32>, vector<16xi32>], vector<16xf32>,
      %add3A_327 = arith.constant 1 : i32
      %add3A_328 = vector.broadcast %add3A_327 : i32 to vector<16xi32>
      %add3A_329 = arith.addi %min3A_323, %add3A_328 : vector<16xi32>
      %gather3A_330 = tpu.vector_load_idx %arg5[%broadcast_in_dim3A_1, %add3A_329] : memref<1x100000xf32, #tpu.memory_space<vmem>>[vector<16xi32>, vector<16xi32>], vector<16xf32>,
      %sub3A_331 = arith.subf %gather3A_330, %gather3A_326 : vector<16xf32>
      %mul3A_332 = arith.mulf %sub3A_325, %sub3A_331 : vector<16xf32>
      %add3A_333 = arith.addf %gather3A_326, %mul3A_332 : vector<16xf32>
      %mul3A_334 = arith.constant 2 : i32
      %mul3A_335 = arith.muli %mul3A_334, %scan3A_279 : i32
      %add3A_336 = arith.constant 1 : i32
      %add3A_337 = arith.addi %mul3A_335, %add3A_336 : i32
      %mul3A_338 = arith.constant 16 : i32
      %mul3A_339 = arith.muli %add3A_337, %mul3A_338 : i32
      %swap3A_340 = arith.constant 1 : i32
      %swap3A_341 = arith.constant 0 : i32
      %swap3A_342 = arith.index_cast %swap3A_340 : i32 to index
      %swap3A_343 = arith.index_cast %swap3A_341 : i32 to index
      %swap3A_344 = arith.index_cast %mul3A_339 : i32 to index
      %swap3A_345 = tpu.vector_load %arg7[%swap3A_342, %swap3A_343, %swap3A_344] {strides = array<i32>} : memref<2x1x4096xf32, #tpu.memory_space<vmem>>, vector<16xf32>,
      tpu.vector_store %arg7[%swap3A_342, %swap3A_343, %swap3A_344], %add3A_333 {strides = array<i32>} : memref<2x1x4096xf32, #tpu.memory_space<vmem>>, vector<16xf32>,
    }
    %scan3A_99 = arith.constant 128 : i32
    %dma_start3A_100 = arith.constant 1 : i32
    %dma_start3A_101 = arith.constant 0 : i32
    %dma_start3A_102 = arith.constant 0 : i32
    %dma_start3A_103 = tpu.memref_slice %arg7[%dma_start3A_100, %dma_start3A_101, %dma_start3A_102] : memref<2x1x4096xf32, #tpu.memory_space<vmem>> -> memref<1x1x4096xf32, #tpu.memory_space<vmem>>
    %dma_start3A_104 = tpu.memref_squeeze %dma_start3A_103 : memref<1x1x4096xf32, #tpu.memory_space<vmem>> -> memref<1x4096xf32, #tpu.memory_space<vmem>>
    %dma_start3A_105 = arith.constant 12288 : i32
    %dma_start3A_106 = tpu.memref_slice %arg4[%add3A_5, %dma_start3A_105] : memref<64x16384xf32, #tpu.memory_space<hbm>> -> memref<1x4096xf32, #tpu.memory_space<hbm>>
    %dma_start3A_107 = arith.constant 12288 : i32
    %dma_start3A_108 = tpu.memref_slice %arg4[%add3A_5, %dma_start3A_107] : memref<64x16384xf32, #tpu.memory_space<hbm>> -> memref<1x4096xf32, #tpu.memory_space<hbm>>
    %dma_start3A_109 = arith.constant 0 : i32
    %dma_start3A_110 = arith.constant 0 : i32
    %dma_start3A_111 = tpu.memref_slice %arg7[%dma_start3A_100, %dma_start3A_109, %dma_start3A_110] : memref<2x1x4096xf32, #tpu.memory_space<vmem>> -> memref<1x1x4096xf32, #tpu.memory_space<vmem>>
    %dma_start3A_112 = tpu.memref_squeeze %dma_start3A_111 : memref<1x1x4096xf32, #tpu.memory_space<vmem>> -> memref<1x4096xf32, #tpu.memory_space<vmem>>
    tpu.enqueue_dma source(%dma_start3A_112 : memref<1x4096xf32, #tpu.memory_space<vmem>>) target(%dma_start3A_108 : memref<1x4096xf32, #tpu.memory_space<hbm>>) target_semaphore(%arg11 : memref<!tpu.dma_semaphore, #tpu.memory_space<semaphore_mem>>)
    %mul3A_113 = arith.constant 2 : i32
    %mul3A_114 = arith.muli %add3A, %mul3A_113 : i32
    %add3A_115 = arith.constant 1 : i32
    %add3A_116 = arith.addi %mul3A_114, %add3A_115 : i32
    %dma_start3A_117 = arith.constant 0 : i32
    %dma_start3A_118 = tpu.memref_slice %arg3[%add3A_116, %dma_start3A_117] : memref<64x100000xf32, #tpu.memory_space<hbm>> -> memref<1x100000xf32, #tpu.memory_space<hbm>>
    %dma_start3A_119 = arith.constant 0 : i32
    %dma_start3A_120 = tpu.memref_slice %arg3[%add3A_116, %dma_start3A_119] : memref<64x100000xf32, #tpu.memory_space<hbm>> -> memref<1x100000xf32, #tpu.memory_space<hbm>>
    tpu.enqueue_dma source(%dma_start3A_120 : memref<1x100000xf32, #tpu.memory_space<hbm>>) target(%arg5 : memref<1x100000xf32, #tpu.memory_space<vmem>>) target_semaphore(%arg8 : memref<!tpu.dma_semaphore, #tpu.memory_space<semaphore_mem>>)
    %dma_wait3A_121 = arith.constant 0 : i32
    %dma_wait3A_122 = tpu.memref_slice %arg3[%add3A_116, %dma_wait3A_121] : memref<64x100000xf32, #tpu.memory_space<hbm>> -> memref<1x100000xf32, #tpu.memory_space<hbm>>
    %dma_wait3A_123 = arith.constant 0 : i32
    %dma_wait3A_124 = tpu.memref_slice %arg3[%add3A_116, %dma_wait3A_123] : memref<64x100000xf32, #tpu.memory_space<hbm>> -> memref<1x100000xf32, #tpu.memory_space<hbm>>
    tpu.wait_dma2 semaphore(%arg8 : memref<!tpu.dma_semaphore, #tpu.memory_space<semaphore_mem>>) src(%dma_wait3A_124 : memref<1x100000xf32, #tpu.memory_space<hbm>>) dst(%arg5 : memref<1x100000xf32, #tpu.memory_space<vmem>>)
    %scan3A_125 = arith.constant 0 : i32
    %scan3A_126 = arith.constant 0 : i32
    %scan3A_127 = arith.constant 128 : i32
    %scan3A_128 = arith.addi %scan3A_126, %scan3A_127 : i32
    %scan3A_129 = arith.constant 1 : i32
    scf.for %scan3A_279 = %scan3A_126 to %scan3A_128 step %scan3A_129  : i32 {
      %mul3A_280 = arith.constant 2 : i32
      %mul3A_281 = arith.muli %mul3A_280, %scan3A_279 : i32
      %add3A_282 = arith.constant 0 : i32
      %add3A_283 = arith.addi %mul3A_281, %add3A_282 : i32
      %mul3A_284 = arith.constant 16 : i32
      %mul3A_285 = arith.muli %add3A_283, %mul3A_284 : i32
      %add3A_286 = arith.constant 0 : i32
      %add3A_287 = arith.addi %add3A_286, %mul3A_285 : i32
      %get3A = arith.index_cast %add3A_287 : i32 to index
      %get3A_288 = tpu.vector_load %arg6[%get3A] {strides = array<i32>} : memref<16384xf32, #tpu.memory_space<vmem>>, vector<16xf32>,
      %convert_element_type3A = arith.fptosi %get3A_288 : vector<16xf32> to vector<16xi32>
      %min3A = arith.constant 99998 : i32
      %min3A_289 = vector.broadcast %min3A : i32 to vector<16xi32>
      %min3A_290 = arith.minsi %convert_element_type3A, %min3A_289 : vector<16xi32>
      %convert_element_type3A_291 = arith.sitofp %min3A_290 : vector<16xi32> to vector<16xf32>
      %sub3A = arith.subf %get3A_288, %convert_element_type3A_291 : vector<16xf32>
      %gather3A = tpu.vector_load_idx %arg5[%broadcast_in_dim3A_1, %min3A_290] : memref<1x100000xf32, #tpu.memory_space<vmem>>[vector<16xi32>, vector<16xi32>], vector<16xf32>,
      %add3A_292 = arith.constant 1 : i32
      %add3A_293 = vector.broadcast %add3A_292 : i32 to vector<16xi32>
      %add3A_294 = arith.addi %min3A_290, %add3A_293 : vector<16xi32>
      %gather3A_295 = tpu.vector_load_idx %arg5[%broadcast_in_dim3A_1, %add3A_294] : memref<1x100000xf32, #tpu.memory_space<vmem>>[vector<16xi32>, vector<16xi32>], vector<16xf32>,
      %sub3A_296 = arith.subf %gather3A_295, %gather3A : vector<16xf32>
      %mul3A_297 = arith.mulf %sub3A, %sub3A_296 : vector<16xf32>
      %add3A_298 = arith.addf %gather3A, %mul3A_297 : vector<16xf32>
      %mul3A_299 = arith.constant 2 : i32
      %mul3A_300 = arith.muli %mul3A_299, %scan3A_279 : i32
      %add3A_301 = arith.constant 0 : i32
      %add3A_302 = arith.addi %mul3A_300, %add3A_301 : i32
      %mul3A_303 = arith.constant 16 : i32
      %mul3A_304 = arith.muli %add3A_302, %mul3A_303 : i32
      %swap3A = arith.constant 0 : i32
      %swap3A_305 = arith.constant 0 : i32
      %swap3A_306 = arith.index_cast %swap3A : i32 to index
      %swap3A_307 = arith.index_cast %swap3A_305 : i32 to index
      %swap3A_308 = arith.index_cast %mul3A_304 : i32 to index
      %swap3A_309 = tpu.vector_load %arg7[%swap3A_306, %swap3A_307, %swap3A_308] {strides = array<i32>} : memref<2x1x4096xf32, #tpu.memory_space<vmem>>, vector<16xf32>,
      tpu.vector_store %arg7[%swap3A_306, %swap3A_307, %swap3A_308], %add3A_298 {strides = array<i32>} : memref<2x1x4096xf32, #tpu.memory_space<vmem>>, vector<16xf32>,
      %mul3A_310 = arith.constant 2 : i32
      %mul3A_311 = arith.muli %mul3A_310, %scan3A_279 : i32
      %add3A_312 = arith.constant 1 : i32
      %add3A_313 = arith.addi %mul3A_311, %add3A_312 : i32
      %mul3A_314 = arith.constant 16 : i32
      %mul3A_315 = arith.muli %add3A_313, %mul3A_314 : i32
      %add3A_316 = arith.constant 0 : i32
      %add3A_317 = arith.addi %add3A_316, %mul3A_315 : i32
      %get3A_318 = arith.index_cast %add3A_317 : i32 to index
      %get3A_319 = tpu.vector_load %arg6[%get3A_318] {strides = array<i32>} : memref<16384xf32, #tpu.memory_space<vmem>>, vector<16xf32>,
      %convert_element_type3A_320 = arith.fptosi %get3A_319 : vector<16xf32> to vector<16xi32>
      %min3A_321 = arith.constant 99998 : i32
      %min3A_322 = vector.broadcast %min3A_321 : i32 to vector<16xi32>
      %min3A_323 = arith.minsi %convert_element_type3A_320, %min3A_322 : vector<16xi32>
      %convert_element_type3A_324 = arith.sitofp %min3A_323 : vector<16xi32> to vector<16xf32>
      %sub3A_325 = arith.subf %get3A_319, %convert_element_type3A_324 : vector<16xf32>
      %gather3A_326 = tpu.vector_load_idx %arg5[%broadcast_in_dim3A_1, %min3A_323] : memref<1x100000xf32, #tpu.memory_space<vmem>>[vector<16xi32>, vector<16xi32>], vector<16xf32>,
      %add3A_327 = arith.constant 1 : i32
      %add3A_328 = vector.broadcast %add3A_327 : i32 to vector<16xi32>
      %add3A_329 = arith.addi %min3A_323, %add3A_328 : vector<16xi32>
      %gather3A_330 = tpu.vector_load_idx %arg5[%broadcast_in_dim3A_1, %add3A_329] : memref<1x100000xf32, #tpu.memory_space<vmem>>[vector<16xi32>, vector<16xi32>], vector<16xf32>,
      %sub3A_331 = arith.subf %gather3A_330, %gather3A_326 : vector<16xf32>
      %mul3A_332 = arith.mulf %sub3A_325, %sub3A_331 : vector<16xf32>
      %add3A_333 = arith.addf %gather3A_326, %mul3A_332 : vector<16xf32>
      %mul3A_334 = arith.constant 2 : i32
      %mul3A_335 = arith.muli %mul3A_334, %scan3A_279 : i32
      %add3A_336 = arith.constant 1 : i32
      %add3A_337 = arith.addi %mul3A_335, %add3A_336 : i32
      %mul3A_338 = arith.constant 16 : i32
      %mul3A_339 = arith.muli %add3A_337, %mul3A_338 : i32
      %swap3A_340 = arith.constant 0 : i32
      %swap3A_341 = arith.constant 0 : i32
      %swap3A_342 = arith.index_cast %swap3A_340 : i32 to index
      %swap3A_343 = arith.index_cast %swap3A_341 : i32 to index
      %swap3A_344 = arith.index_cast %mul3A_339 : i32 to index
      %swap3A_345 = tpu.vector_load %arg7[%swap3A_342, %swap3A_343, %swap3A_344] {strides = array<i32>} : memref<2x1x4096xf32, #tpu.memory_space<vmem>>, vector<16xf32>,
      tpu.vector_store %arg7[%swap3A_342, %swap3A_343, %swap3A_344], %add3A_333 {strides = array<i32>} : memref<2x1x4096xf32, #tpu.memory_space<vmem>>, vector<16xf32>,
    }
    %scan3A_130 = arith.constant 128 : i32
    %dma_start3A_131 = arith.constant 0 : i32
    %dma_start3A_132 = arith.constant 0 : i32
    %dma_start3A_133 = arith.constant 0 : i32
    %dma_start3A_134 = tpu.memref_slice %arg7[%dma_start3A_131, %dma_start3A_132, %dma_start3A_133] : memref<2x1x4096xf32, #tpu.memory_space<vmem>> -> memref<1x1x4096xf32, #tpu.memory_space<vmem>>
    %dma_start3A_135 = tpu.memref_squeeze %dma_start3A_134 : memref<1x1x4096xf32, #tpu.memory_space<vmem>> -> memref<1x4096xf32, #tpu.memory_space<vmem>>
    %dma_start3A_136 = arith.constant 0 : i32
    %dma_start3A_137 = tpu.memref_slice %arg4[%add3A_116, %dma_start3A_136] : memref<64x16384xf32, #tpu.memory_space<hbm>> -> memref<1x4096xf32, #tpu.memory_space<hbm>>
    %dma_start3A_138 = arith.constant 0 : i32
    %dma_start3A_139 = tpu.memref_slice %arg4[%add3A_116, %dma_start3A_138] : memref<64x16384xf32, #tpu.memory_space<hbm>> -> memref<1x4096xf32, #tpu.memory_space<hbm>>
    %dma_start3A_140 = arith.constant 0 : i32
    %dma_start3A_141 = arith.constant 0 : i32
    %dma_start3A_142 = tpu.memref_slice %arg7[%dma_start3A_131, %dma_start3A_140, %dma_start3A_141] : memref<2x1x4096xf32, #tpu.memory_space<vmem>> -> memref<1x1x4096xf32, #tpu.memory_space<vmem>>
    %dma_start3A_143 = tpu.memref_squeeze %dma_start3A_142 : memref<1x1x4096xf32, #tpu.memory_space<vmem>> -> memref<1x4096xf32, #tpu.memory_space<vmem>>
    tpu.enqueue_dma source(%dma_start3A_143 : memref<1x4096xf32, #tpu.memory_space<vmem>>) target(%dma_start3A_139 : memref<1x4096xf32, #tpu.memory_space<hbm>>) target_semaphore(%arg10 : memref<!tpu.dma_semaphore, #tpu.memory_space<semaphore_mem>>)
    %scan3A_144 = arith.constant 0 : i32
    %scan3A_145 = arith.constant 0 : i32
    %scan3A_146 = arith.constant 128 : i32
    %scan3A_147 = arith.addi %scan3A_145, %scan3A_146 : i32
    %scan3A_148 = arith.constant 1 : i32
    scf.for %scan3A_279 = %scan3A_145 to %scan3A_147 step %scan3A_148  : i32 {
      %mul3A_280 = arith.constant 2 : i32
      %mul3A_281 = arith.muli %mul3A_280, %scan3A_279 : i32
      %add3A_282 = arith.constant 0 : i32
      %add3A_283 = arith.addi %mul3A_281, %add3A_282 : i32
      %mul3A_284 = arith.constant 16 : i32
      %mul3A_285 = arith.muli %add3A_283, %mul3A_284 : i32
      %add3A_286 = arith.constant 4096 : i32
      %add3A_287 = arith.addi %add3A_286, %mul3A_285 : i32
      %get3A = arith.index_cast %add3A_287 : i32 to index
      %get3A_288 = tpu.vector_load %arg6[%get3A] {strides = array<i32>} : memref<16384xf32, #tpu.memory_space<vmem>>, vector<16xf32>,
      %convert_element_type3A = arith.fptosi %get3A_288 : vector<16xf32> to vector<16xi32>
      %min3A = arith.constant 99998 : i32
      %min3A_289 = vector.broadcast %min3A : i32 to vector<16xi32>
      %min3A_290 = arith.minsi %convert_element_type3A, %min3A_289 : vector<16xi32>
      %convert_element_type3A_291 = arith.sitofp %min3A_290 : vector<16xi32> to vector<16xf32>
      %sub3A = arith.subf %get3A_288, %convert_element_type3A_291 : vector<16xf32>
      %gather3A = tpu.vector_load_idx %arg5[%broadcast_in_dim3A_1, %min3A_290] : memref<1x100000xf32, #tpu.memory_space<vmem>>[vector<16xi32>, vector<16xi32>], vector<16xf32>,
      %add3A_292 = arith.constant 1 : i32
      %add3A_293 = vector.broadcast %add3A_292 : i32 to vector<16xi32>
      %add3A_294 = arith.addi %min3A_290, %add3A_293 : vector<16xi32>
      %gather3A_295 = tpu.vector_load_idx %arg5[%broadcast_in_dim3A_1, %add3A_294] : memref<1x100000xf32, #tpu.memory_space<vmem>>[vector<16xi32>, vector<16xi32>], vector<16xf32>,
      %sub3A_296 = arith.subf %gather3A_295, %gather3A : vector<16xf32>
      %mul3A_297 = arith.mulf %sub3A, %sub3A_296 : vector<16xf32>
      %add3A_298 = arith.addf %gather3A, %mul3A_297 : vector<16xf32>
      %mul3A_299 = arith.constant 2 : i32
      %mul3A_300 = arith.muli %mul3A_299, %scan3A_279 : i32
      %add3A_301 = arith.constant 0 : i32
      %add3A_302 = arith.addi %mul3A_300, %add3A_301 : i32
      %mul3A_303 = arith.constant 16 : i32
      %mul3A_304 = arith.muli %add3A_302, %mul3A_303 : i32
      %swap3A = arith.constant 1 : i32
      %swap3A_305 = arith.constant 0 : i32
      %swap3A_306 = arith.index_cast %swap3A : i32 to index
      %swap3A_307 = arith.index_cast %swap3A_305 : i32 to index
      %swap3A_308 = arith.index_cast %mul3A_304 : i32 to index
      %swap3A_309 = tpu.vector_load %arg7[%swap3A_306, %swap3A_307, %swap3A_308] {strides = array<i32>} : memref<2x1x4096xf32, #tpu.memory_space<vmem>>, vector<16xf32>,
      tpu.vector_store %arg7[%swap3A_306, %swap3A_307, %swap3A_308], %add3A_298 {strides = array<i32>} : memref<2x1x4096xf32, #tpu.memory_space<vmem>>, vector<16xf32>,
      %mul3A_310 = arith.constant 2 : i32
      %mul3A_311 = arith.muli %mul3A_310, %scan3A_279 : i32
      %add3A_312 = arith.constant 1 : i32
      %add3A_313 = arith.addi %mul3A_311, %add3A_312 : i32
      %mul3A_314 = arith.constant 16 : i32
      %mul3A_315 = arith.muli %add3A_313, %mul3A_314 : i32
      %add3A_316 = arith.constant 4096 : i32
      %add3A_317 = arith.addi %add3A_316, %mul3A_315 : i32
      %get3A_318 = arith.index_cast %add3A_317 : i32 to index
      %get3A_319 = tpu.vector_load %arg6[%get3A_318] {strides = array<i32>} : memref<16384xf32, #tpu.memory_space<vmem>>, vector<16xf32>,
      %convert_element_type3A_320 = arith.fptosi %get3A_319 : vector<16xf32> to vector<16xi32>
      %min3A_321 = arith.constant 99998 : i32
      %min3A_322 = vector.broadcast %min3A_321 : i32 to vector<16xi32>
      %min3A_323 = arith.minsi %convert_element_type3A_320, %min3A_322 : vector<16xi32>
      %convert_element_type3A_324 = arith.sitofp %min3A_323 : vector<16xi32> to vector<16xf32>
      %sub3A_325 = arith.subf %get3A_319, %convert_element_type3A_324 : vector<16xf32>
      %gather3A_326 = tpu.vector_load_idx %arg5[%broadcast_in_dim3A_1, %min3A_323] : memref<1x100000xf32, #tpu.memory_space<vmem>>[vector<16xi32>, vector<16xi32>], vector<16xf32>,
      %add3A_327 = arith.constant 1 : i32
      %add3A_328 = vector.broadcast %add3A_327 : i32 to vector<16xi32>
      %add3A_329 = arith.addi %min3A_323, %add3A_328 : vector<16xi32>
      %gather3A_330 = tpu.vector_load_idx %arg5[%broadcast_in_dim3A_1, %add3A_329] : memref<1x100000xf32, #tpu.memory_space<vmem>>[vector<16xi32>, vector<16xi32>], vector<16xf32>,
      %sub3A_331 = arith.subf %gather3A_330, %gather3A_326 : vector<16xf32>
      %mul3A_332 = arith.mulf %sub3A_325, %sub3A_331 : vector<16xf32>
      %add3A_333 = arith.addf %gather3A_326, %mul3A_332 : vector<16xf32>
      %mul3A_334 = arith.constant 2 : i32
      %mul3A_335 = arith.muli %mul3A_334, %scan3A_279 : i32
      %add3A_336 = arith.constant 1 : i32
      %add3A_337 = arith.addi %mul3A_335, %add3A_336 : i32
      %mul3A_338 = arith.constant 16 : i32
      %mul3A_339 = arith.muli %add3A_337, %mul3A_338 : i32
      %swap3A_340 = arith.constant 1 : i32
      %swap3A_341 = arith.constant 0 : i32
      %swap3A_342 = arith.index_cast %swap3A_340 : i32 to index
      %swap3A_343 = arith.index_cast %swap3A_341 : i32 to index
      %swap3A_344 = arith.index_cast %mul3A_339 : i32 to index
      %swap3A_345 = tpu.vector_load %arg7[%swap3A_342, %swap3A_343, %swap3A_344] {strides = array<i32>} : memref<2x1x4096xf32, #tpu.memory_space<vmem>>, vector<16xf32>,
      tpu.vector_store %arg7[%swap3A_342, %swap3A_343, %swap3A_344], %add3A_333 {strides = array<i32>} : memref<2x1x4096xf32, #tpu.memory_space<vmem>>, vector<16xf32>,
    }
    %scan3A_149 = arith.constant 128 : i32
    %dma_start3A_150 = arith.constant 1 : i32
    %dma_start3A_151 = arith.constant 0 : i32
    %dma_start3A_152 = arith.constant 0 : i32
    %dma_start3A_153 = tpu.memref_slice %arg7[%dma_start3A_150, %dma_start3A_151, %dma_start3A_152] : memref<2x1x4096xf32, #tpu.memory_space<vmem>> -> memref<1x1x4096xf32, #tpu.memory_space<vmem>>
    %dma_start3A_154 = tpu.memref_squeeze %dma_start3A_153 : memref<1x1x4096xf32, #tpu.memory_space<vmem>> -> memref<1x4096xf32, #tpu.memory_space<vmem>>
    %dma_start3A_155 = arith.constant 4096 : i32
    %dma_start3A_156 = tpu.memref_slice %arg4[%add3A_116, %dma_start3A_155] : memref<64x16384xf32, #tpu.memory_space<hbm>> -> memref<1x4096xf32, #tpu.memory_space<hbm>>
    %dma_start3A_157 = arith.constant 4096 : i32
    %dma_start3A_158 = tpu.memref_slice %arg4[%add3A_116, %dma_start3A_157] : memref<64x16384xf32, #tpu.memory_space<hbm>> -> memref<1x4096xf32, #tpu.memory_space<hbm>>
    %dma_start3A_159 = arith.constant 0 : i32
    %dma_start3A_160 = arith.constant 0 : i32
    %dma_start3A_161 = tpu.memref_slice %arg7[%dma_start3A_150, %dma_start3A_159, %dma_start3A_160] : memref<2x1x4096xf32, #tpu.memory_space<vmem>> -> memref<1x1x4096xf32, #tpu.memory_space<vmem>>
    %dma_start3A_162 = tpu.memref_squeeze %dma_start3A_161 : memref<1x1x4096xf32, #tpu.memory_space<vmem>> -> memref<1x4096xf32, #tpu.memory_space<vmem>>
    tpu.enqueue_dma source(%dma_start3A_162 : memref<1x4096xf32, #tpu.memory_space<vmem>>) target(%dma_start3A_158 : memref<1x4096xf32, #tpu.memory_space<hbm>>) target_semaphore(%arg11 : memref<!tpu.dma_semaphore, #tpu.memory_space<semaphore_mem>>)
    %dma_wait3A_163 = arith.constant 0 : i32
    %dma_wait3A_164 = arith.constant 0 : i32
    %dma_wait3A_165 = arith.constant 0 : i32
    %dma_wait3A_166 = tpu.memref_slice %arg7[%dma_wait3A_163, %dma_wait3A_164, %dma_wait3A_165] : memref<2x1x4096xf32, #tpu.memory_space<vmem>> -> memref<1x1x4096xf32, #tpu.memory_space<vmem>>
    %dma_wait3A_167 = tpu.memref_squeeze %dma_wait3A_166 : memref<1x1x4096xf32, #tpu.memory_space<vmem>> -> memref<1x4096xf32, #tpu.memory_space<vmem>>
    %dma_wait3A_168 = arith.constant 0 : i32
    %dma_wait3A_169 = tpu.memref_slice %arg4[%add3A_116, %dma_wait3A_168] : memref<64x16384xf32, #tpu.memory_space<hbm>> -> memref<1x4096xf32, #tpu.memory_space<hbm>>
    %dma_wait3A_170 = arith.constant 0 : i32
    %dma_wait3A_171 = tpu.memref_slice %arg4[%add3A_116, %dma_wait3A_170] : memref<64x16384xf32, #tpu.memory_space<hbm>> -> memref<1x4096xf32, #tpu.memory_space<hbm>>
    %dma_wait3A_172 = arith.constant 0 : i32
    %dma_wait3A_173 = arith.constant 0 : i32
    %dma_wait3A_174 = tpu.memref_slice %arg7[%dma_wait3A_163, %dma_wait3A_172, %dma_wait3A_173] : memref<2x1x4096xf32, #tpu.memory_space<vmem>> -> memref<1x1x4096xf32, #tpu.memory_space<vmem>>
    %dma_wait3A_175 = tpu.memref_squeeze %dma_wait3A_174 : memref<1x1x4096xf32, #tpu.memory_space<vmem>> -> memref<1x4096xf32, #tpu.memory_space<vmem>>
    tpu.wait_dma2 semaphore(%arg10 : memref<!tpu.dma_semaphore, #tpu.memory_space<semaphore_mem>>) src(%dma_wait3A_175 : memref<1x4096xf32, #tpu.memory_space<vmem>>) dst(%dma_wait3A_171 : memref<1x4096xf32, #tpu.memory_space<hbm>>)
    %scan3A_176 = arith.constant 0 : i32
    %scan3A_177 = arith.constant 0 : i32
    %scan3A_178 = arith.constant 128 : i32
    %scan3A_179 = arith.addi %scan3A_177, %scan3A_178 : i32
    %scan3A_180 = arith.constant 1 : i32
    scf.for %scan3A_279 = %scan3A_177 to %scan3A_179 step %scan3A_180  : i32 {
      %mul3A_280 = arith.constant 2 : i32
      %mul3A_281 = arith.muli %mul3A_280, %scan3A_279 : i32
      %add3A_282 = arith.constant 0 : i32
      %add3A_283 = arith.addi %mul3A_281, %add3A_282 : i32
      %mul3A_284 = arith.constant 16 : i32
      %mul3A_285 = arith.muli %add3A_283, %mul3A_284 : i32
      %add3A_286 = arith.constant 8192 : i32
      %add3A_287 = arith.addi %add3A_286, %mul3A_285 : i32
      %get3A = arith.index_cast %add3A_287 : i32 to index
      %get3A_288 = tpu.vector_load %arg6[%get3A] {strides = array<i32>} : memref<16384xf32, #tpu.memory_space<vmem>>, vector<16xf32>,
      %convert_element_type3A = arith.fptosi %get3A_288 : vector<16xf32> to vector<16xi32>
      %min3A = arith.constant 99998 : i32
      %min3A_289 = vector.broadcast %min3A : i32 to vector<16xi32>
      %min3A_290 = arith.minsi %convert_element_type3A, %min3A_289 : vector<16xi32>
      %convert_element_type3A_291 = arith.sitofp %min3A_290 : vector<16xi32> to vector<16xf32>
      %sub3A = arith.subf %get3A_288, %convert_element_type3A_291 : vector<16xf32>
      %gather3A = tpu.vector_load_idx %arg5[%broadcast_in_dim3A_1, %min3A_290] : memref<1x100000xf32, #tpu.memory_space<vmem>>[vector<16xi32>, vector<16xi32>], vector<16xf32>,
      %add3A_292 = arith.constant 1 : i32
      %add3A_293 = vector.broadcast %add3A_292 : i32 to vector<16xi32>
      %add3A_294 = arith.addi %min3A_290, %add3A_293 : vector<16xi32>
      %gather3A_295 = tpu.vector_load_idx %arg5[%broadcast_in_dim3A_1, %add3A_294] : memref<1x100000xf32, #tpu.memory_space<vmem>>[vector<16xi32>, vector<16xi32>], vector<16xf32>,
      %sub3A_296 = arith.subf %gather3A_295, %gather3A : vector<16xf32>
      %mul3A_297 = arith.mulf %sub3A, %sub3A_296 : vector<16xf32>
      %add3A_298 = arith.addf %gather3A, %mul3A_297 : vector<16xf32>
      %mul3A_299 = arith.constant 2 : i32
      %mul3A_300 = arith.muli %mul3A_299, %scan3A_279 : i32
      %add3A_301 = arith.constant 0 : i32
      %add3A_302 = arith.addi %mul3A_300, %add3A_301 : i32
      %mul3A_303 = arith.constant 16 : i32
      %mul3A_304 = arith.muli %add3A_302, %mul3A_303 : i32
      %swap3A = arith.constant 0 : i32
      %swap3A_305 = arith.constant 0 : i32
      %swap3A_306 = arith.index_cast %swap3A : i32 to index
      %swap3A_307 = arith.index_cast %swap3A_305 : i32 to index
      %swap3A_308 = arith.index_cast %mul3A_304 : i32 to index
      %swap3A_309 = tpu.vector_load %arg7[%swap3A_306, %swap3A_307, %swap3A_308] {strides = array<i32>} : memref<2x1x4096xf32, #tpu.memory_space<vmem>>, vector<16xf32>,
      tpu.vector_store %arg7[%swap3A_306, %swap3A_307, %swap3A_308], %add3A_298 {strides = array<i32>} : memref<2x1x4096xf32, #tpu.memory_space<vmem>>, vector<16xf32>,
      %mul3A_310 = arith.constant 2 : i32
      %mul3A_311 = arith.muli %mul3A_310, %scan3A_279 : i32
      %add3A_312 = arith.constant 1 : i32
      %add3A_313 = arith.addi %mul3A_311, %add3A_312 : i32
      %mul3A_314 = arith.constant 16 : i32
      %mul3A_315 = arith.muli %add3A_313, %mul3A_314 : i32
      %add3A_316 = arith.constant 8192 : i32
      %add3A_317 = arith.addi %add3A_316, %mul3A_315 : i32
      %get3A_318 = arith.index_cast %add3A_317 : i32 to index
      %get3A_319 = tpu.vector_load %arg6[%get3A_318] {strides = array<i32>} : memref<16384xf32, #tpu.memory_space<vmem>>, vector<16xf32>,
      %convert_element_type3A_320 = arith.fptosi %get3A_319 : vector<16xf32> to vector<16xi32>
      %min3A_321 = arith.constant 99998 : i32
      %min3A_322 = vector.broadcast %min3A_321 : i32 to vector<16xi32>
      %min3A_323 = arith.minsi %convert_element_type3A_320, %min3A_322 : vector<16xi32>
      %convert_element_type3A_324 = arith.sitofp %min3A_323 : vector<16xi32> to vector<16xf32>
      %sub3A_325 = arith.subf %get3A_319, %convert_element_type3A_324 : vector<16xf32>
      %gather3A_326 = tpu.vector_load_idx %arg5[%broadcast_in_dim3A_1, %min3A_323] : memref<1x100000xf32, #tpu.memory_space<vmem>>[vector<16xi32>, vector<16xi32>], vector<16xf32>,
      %add3A_327 = arith.constant 1 : i32
      %add3A_328 = vector.broadcast %add3A_327 : i32 to vector<16xi32>
      %add3A_329 = arith.addi %min3A_323, %add3A_328 : vector<16xi32>
      %gather3A_330 = tpu.vector_load_idx %arg5[%broadcast_in_dim3A_1, %add3A_329] : memref<1x100000xf32, #tpu.memory_space<vmem>>[vector<16xi32>, vector<16xi32>], vector<16xf32>,
      %sub3A_331 = arith.subf %gather3A_330, %gather3A_326 : vector<16xf32>
      %mul3A_332 = arith.mulf %sub3A_325, %sub3A_331 : vector<16xf32>
      %add3A_333 = arith.addf %gather3A_326, %mul3A_332 : vector<16xf32>
      %mul3A_334 = arith.constant 2 : i32
      %mul3A_335 = arith.muli %mul3A_334, %scan3A_279 : i32
      %add3A_336 = arith.constant 1 : i32
      %add3A_337 = arith.addi %mul3A_335, %add3A_336 : i32
      %mul3A_338 = arith.constant 16 : i32
      %mul3A_339 = arith.muli %add3A_337, %mul3A_338 : i32
      %swap3A_340 = arith.constant 0 : i32
      %swap3A_341 = arith.constant 0 : i32
      %swap3A_342 = arith.index_cast %swap3A_340 : i32 to index
      %swap3A_343 = arith.index_cast %swap3A_341 : i32 to index
      %swap3A_344 = arith.index_cast %mul3A_339 : i32 to index
      %swap3A_345 = tpu.vector_load %arg7[%swap3A_342, %swap3A_343, %swap3A_344] {strides = array<i32>} : memref<2x1x4096xf32, #tpu.memory_space<vmem>>, vector<16xf32>,
      tpu.vector_store %arg7[%swap3A_342, %swap3A_343, %swap3A_344], %add3A_333 {strides = array<i32>} : memref<2x1x4096xf32, #tpu.memory_space<vmem>>, vector<16xf32>,
    }
    %scan3A_181 = arith.constant 128 : i32
    %dma_start3A_182 = arith.constant 0 : i32
    %dma_start3A_183 = arith.constant 0 : i32
    %dma_start3A_184 = arith.constant 0 : i32
    %dma_start3A_185 = tpu.memref_slice %arg7[%dma_start3A_182, %dma_start3A_183, %dma_start3A_184] : memref<2x1x4096xf32, #tpu.memory_space<vmem>> -> memref<1x1x4096xf32, #tpu.memory_space<vmem>>
    %dma_start3A_186 = tpu.memref_squeeze %dma_start3A_185 : memref<1x1x4096xf32, #tpu.memory_space<vmem>> -> memref<1x4096xf32, #tpu.memory_space<vmem>>
    %dma_start3A_187 = arith.constant 8192 : i32
    %dma_start3A_188 = tpu.memref_slice %arg4[%add3A_116, %dma_start3A_187] : memref<64x16384xf32, #tpu.memory_space<hbm>> -> memref<1x4096xf32, #tpu.memory_space<hbm>>
    %dma_start3A_189 = arith.constant 8192 : i32
    %dma_start3A_190 = tpu.memref_slice %arg4[%add3A_116, %dma_start3A_189] : memref<64x16384xf32, #tpu.memory_space<hbm>> -> memref<1x4096xf32, #tpu.memory_space<hbm>>
    %dma_start3A_191 = arith.constant 0 : i32
    %dma_start3A_192 = arith.constant 0 : i32
    %dma_start3A_193 = tpu.memref_slice %arg7[%dma_start3A_182, %dma_start3A_191, %dma_start3A_192] : memref<2x1x4096xf32, #tpu.memory_space<vmem>> -> memref<1x1x4096xf32, #tpu.memory_space<vmem>>
    %dma_start3A_194 = tpu.memref_squeeze %dma_start3A_193 : memref<1x1x4096xf32, #tpu.memory_space<vmem>> -> memref<1x4096xf32, #tpu.memory_space<vmem>>
    tpu.enqueue_dma source(%dma_start3A_194 : memref<1x4096xf32, #tpu.memory_space<vmem>>) target(%dma_start3A_190 : memref<1x4096xf32, #tpu.memory_space<hbm>>) target_semaphore(%arg10 : memref<!tpu.dma_semaphore, #tpu.memory_space<semaphore_mem>>)
    %dma_wait3A_195 = arith.constant 1 : i32
    %dma_wait3A_196 = arith.constant 0 : i32
    %dma_wait3A_197 = arith.constant 0 : i32
    %dma_wait3A_198 = tpu.memref_slice %arg7[%dma_wait3A_195, %dma_wait3A_196, %dma_wait3A_197] : memref<2x1x4096xf32, #tpu.memory_space<vmem>> -> memref<1x1x4096xf32, #tpu.memory_space<vmem>>
    %dma_wait3A_199 = tpu.memref_squeeze %dma_wait3A_198 : memref<1x1x4096xf32, #tpu.memory_space<vmem>> -> memref<1x4096xf32, #tpu.memory_space<vmem>>
    %dma_wait3A_200 = arith.constant 4096 : i32
    %dma_wait3A_201 = tpu.memref_slice %arg4[%add3A_116, %dma_wait3A_200] : memref<64x16384xf32, #tpu.memory_space<hbm>> -> memref<1x4096xf32, #tpu.memory_space<hbm>>
    %dma_wait3A_202 = arith.constant 4096 : i32
    %dma_wait3A_203 = tpu.memref_slice %arg4[%add3A_116, %dma_wait3A_202] : memref<64x16384xf32, #tpu.memory_space<hbm>> -> memref<1x4096xf32, #tpu.memory_space<hbm>>
    %dma_wait3A_204 = arith.constant 0 : i32
    %dma_wait3A_205 = arith.constant 0 : i32
    %dma_wait3A_206 = tpu.memref_slice %arg7[%dma_wait3A_195, %dma_wait3A_204, %dma_wait3A_205] : memref<2x1x4096xf32, #tpu.memory_space<vmem>> -> memref<1x1x4096xf32, #tpu.memory_space<vmem>>
    %dma_wait3A_207 = tpu.memref_squeeze %dma_wait3A_206 : memref<1x1x4096xf32, #tpu.memory_space<vmem>> -> memref<1x4096xf32, #tpu.memory_space<vmem>>
    tpu.wait_dma2 semaphore(%arg11 : memref<!tpu.dma_semaphore, #tpu.memory_space<semaphore_mem>>) src(%dma_wait3A_207 : memref<1x4096xf32, #tpu.memory_space<vmem>>) dst(%dma_wait3A_203 : memref<1x4096xf32, #tpu.memory_space<hbm>>)
    %scan3A_208 = arith.constant 0 : i32
    %scan3A_209 = arith.constant 0 : i32
    %scan3A_210 = arith.constant 128 : i32
    %scan3A_211 = arith.addi %scan3A_209, %scan3A_210 : i32
    %scan3A_212 = arith.constant 1 : i32
    scf.for %scan3A_279 = %scan3A_209 to %scan3A_211 step %scan3A_212  : i32 {
      %mul3A_280 = arith.constant 2 : i32
      %mul3A_281 = arith.muli %mul3A_280, %scan3A_279 : i32
      %add3A_282 = arith.constant 0 : i32
      %add3A_283 = arith.addi %mul3A_281, %add3A_282 : i32
      %mul3A_284 = arith.constant 16 : i32
      %mul3A_285 = arith.muli %add3A_283, %mul3A_284 : i32
      %add3A_286 = arith.constant 12288 : i32
      %add3A_287 = arith.addi %add3A_286, %mul3A_285 : i32
      %get3A = arith.index_cast %add3A_287 : i32 to index
      %get3A_288 = tpu.vector_load %arg6[%get3A] {strides = array<i32>} : memref<16384xf32, #tpu.memory_space<vmem>>, vector<16xf32>,
      %convert_element_type3A = arith.fptosi %get3A_288 : vector<16xf32> to vector<16xi32>
      %min3A = arith.constant 99998 : i32
      %min3A_289 = vector.broadcast %min3A : i32 to vector<16xi32>
      %min3A_290 = arith.minsi %convert_element_type3A, %min3A_289 : vector<16xi32>
      %convert_element_type3A_291 = arith.sitofp %min3A_290 : vector<16xi32> to vector<16xf32>
      %sub3A = arith.subf %get3A_288, %convert_element_type3A_291 : vector<16xf32>
      %gather3A = tpu.vector_load_idx %arg5[%broadcast_in_dim3A_1, %min3A_290] : memref<1x100000xf32, #tpu.memory_space<vmem>>[vector<16xi32>, vector<16xi32>], vector<16xf32>,
      %add3A_292 = arith.constant 1 : i32
      %add3A_293 = vector.broadcast %add3A_292 : i32 to vector<16xi32>
      %add3A_294 = arith.addi %min3A_290, %add3A_293 : vector<16xi32>
      %gather3A_295 = tpu.vector_load_idx %arg5[%broadcast_in_dim3A_1, %add3A_294] : memref<1x100000xf32, #tpu.memory_space<vmem>>[vector<16xi32>, vector<16xi32>], vector<16xf32>,
      %sub3A_296 = arith.subf %gather3A_295, %gather3A : vector<16xf32>
      %mul3A_297 = arith.mulf %sub3A, %sub3A_296 : vector<16xf32>
      %add3A_298 = arith.addf %gather3A, %mul3A_297 : vector<16xf32>
      %mul3A_299 = arith.constant 2 : i32
      %mul3A_300 = arith.muli %mul3A_299, %scan3A_279 : i32
      %add3A_301 = arith.constant 0 : i32
      %add3A_302 = arith.addi %mul3A_300, %add3A_301 : i32
      %mul3A_303 = arith.constant 16 : i32
      %mul3A_304 = arith.muli %add3A_302, %mul3A_303 : i32
      %swap3A = arith.constant 1 : i32
      %swap3A_305 = arith.constant 0 : i32
      %swap3A_306 = arith.index_cast %swap3A : i32 to index
      %swap3A_307 = arith.index_cast %swap3A_305 : i32 to index
      %swap3A_308 = arith.index_cast %mul3A_304 : i32 to index
      %swap3A_309 = tpu.vector_load %arg7[%swap3A_306, %swap3A_307, %swap3A_308] {strides = array<i32>} : memref<2x1x4096xf32, #tpu.memory_space<vmem>>, vector<16xf32>,
      tpu.vector_store %arg7[%swap3A_306, %swap3A_307, %swap3A_308], %add3A_298 {strides = array<i32>} : memref<2x1x4096xf32, #tpu.memory_space<vmem>>, vector<16xf32>,
      %mul3A_310 = arith.constant 2 : i32
      %mul3A_311 = arith.muli %mul3A_310, %scan3A_279 : i32
      %add3A_312 = arith.constant 1 : i32
      %add3A_313 = arith.addi %mul3A_311, %add3A_312 : i32
      %mul3A_314 = arith.constant 16 : i32
      %mul3A_315 = arith.muli %add3A_313, %mul3A_314 : i32
      %add3A_316 = arith.constant 12288 : i32
      %add3A_317 = arith.addi %add3A_316, %mul3A_315 : i32
      %get3A_318 = arith.index_cast %add3A_317 : i32 to index
      %get3A_319 = tpu.vector_load %arg6[%get3A_318] {strides = array<i32>} : memref<16384xf32, #tpu.memory_space<vmem>>, vector<16xf32>,
      %convert_element_type3A_320 = arith.fptosi %get3A_319 : vector<16xf32> to vector<16xi32>
      %min3A_321 = arith.constant 99998 : i32
      %min3A_322 = vector.broadcast %min3A_321 : i32 to vector<16xi32>
      %min3A_323 = arith.minsi %convert_element_type3A_320, %min3A_322 : vector<16xi32>
      %convert_element_type3A_324 = arith.sitofp %min3A_323 : vector<16xi32> to vector<16xf32>
      %sub3A_325 = arith.subf %get3A_319, %convert_element_type3A_324 : vector<16xf32>
      %gather3A_326 = tpu.vector_load_idx %arg5[%broadcast_in_dim3A_1, %min3A_323] : memref<1x100000xf32, #tpu.memory_space<vmem>>[vector<16xi32>, vector<16xi32>], vector<16xf32>,
      %add3A_327 = arith.constant 1 : i32
      %add3A_328 = vector.broadcast %add3A_327 : i32 to vector<16xi32>
      %add3A_329 = arith.addi %min3A_323, %add3A_328 : vector<16xi32>
      %gather3A_330 = tpu.vector_load_idx %arg5[%broadcast_in_dim3A_1, %add3A_329] : memref<1x100000xf32, #tpu.memory_space<vmem>>[vector<16xi32>, vector<16xi32>], vector<16xf32>,
      %sub3A_331 = arith.subf %gather3A_330, %gather3A_326 : vector<16xf32>
      %mul3A_332 = arith.mulf %sub3A_325, %sub3A_331 : vector<16xf32>
      %add3A_333 = arith.addf %gather3A_326, %mul3A_332 : vector<16xf32>
      %mul3A_334 = arith.constant 2 : i32
      %mul3A_335 = arith.muli %mul3A_334, %scan3A_279 : i32
      %add3A_336 = arith.constant 1 : i32
      %add3A_337 = arith.addi %mul3A_335, %add3A_336 : i32
      %mul3A_338 = arith.constant 16 : i32
      %mul3A_339 = arith.muli %add3A_337, %mul3A_338 : i32
      %swap3A_340 = arith.constant 1 : i32
      %swap3A_341 = arith.constant 0 : i32
      %swap3A_342 = arith.index_cast %swap3A_340 : i32 to index
      %swap3A_343 = arith.index_cast %swap3A_341 : i32 to index
      %swap3A_344 = arith.index_cast %mul3A_339 : i32 to index
      %swap3A_345 = tpu.vector_load %arg7[%swap3A_342, %swap3A_343, %swap3A_344] {strides = array<i32>} : memref<2x1x4096xf32, #tpu.memory_space<vmem>>, vector<16xf32>,
      tpu.vector_store %arg7[%swap3A_342, %swap3A_343, %swap3A_344], %add3A_333 {strides = array<i32>} : memref<2x1x4096xf32, #tpu.memory_space<vmem>>, vector<16xf32>,
    }
    %scan3A_213 = arith.constant 128 : i32
    %dma_start3A_214 = arith.constant 1 : i32
    %dma_start3A_215 = arith.constant 0 : i32
    %dma_start3A_216 = arith.constant 0 : i32
    %dma_start3A_217 = tpu.memref_slice %arg7[%dma_start3A_214, %dma_start3A_215, %dma_start3A_216] : memref<2x1x4096xf32, #tpu.memory_space<vmem>> -> memref<1x1x4096xf32, #tpu.memory_space<vmem>>
    %dma_start3A_218 = tpu.memref_squeeze %dma_start3A_217 : memref<1x1x4096xf32, #tpu.memory_space<vmem>> -> memref<1x4096xf32, #tpu.memory_space<vmem>>
    %dma_start3A_219 = arith.constant 12288 : i32
    %dma_start3A_220 = tpu.memref_slice %arg4[%add3A_116, %dma_start3A_219] : memref<64x16384xf32, #tpu.memory_space<hbm>> -> memref<1x4096xf32, #tpu.memory_space<hbm>>
    %dma_start3A_221 = arith.constant 12288 : i32
    %dma_start3A_222 = tpu.memref_slice %arg4[%add3A_116, %dma_start3A_221] : memref<64x16384xf32, #tpu.memory_space<hbm>> -> memref<1x4096xf32, #tpu.memory_space<hbm>>
    %dma_start3A_223 = arith.constant 0 : i32
    %dma_start3A_224 = arith.constant 0 : i32
    %dma_start3A_225 = tpu.memref_slice %arg7[%dma_start3A_214, %dma_start3A_223, %dma_start3A_224] : memref<2x1x4096xf32, #tpu.memory_space<vmem>> -> memref<1x1x4096xf32, #tpu.memory_space<vmem>>
    %dma_start3A_226 = tpu.memref_squeeze %dma_start3A_225 : memref<1x1x4096xf32, #tpu.memory_space<vmem>> -> memref<1x4096xf32, #tpu.memory_space<vmem>>
    tpu.enqueue_dma source(%dma_start3A_226 : memref<1x4096xf32, #tpu.memory_space<vmem>>) target(%dma_start3A_222 : memref<1x4096xf32, #tpu.memory_space<hbm>>) target_semaphore(%arg11 : memref<!tpu.dma_semaphore, #tpu.memory_space<semaphore_mem>>)
    %dma_wait3A_227 = arith.constant 0 : i32
    %dma_wait3A_228 = arith.constant 0 : i32
    %dma_wait3A_229 = arith.constant 0 : i32
    %dma_wait3A_230 = tpu.memref_slice %arg7[%dma_wait3A_227, %dma_wait3A_228, %dma_wait3A_229] : memref<2x1x4096xf32, #tpu.memory_space<vmem>> -> memref<1x1x4096xf32, #tpu.memory_space<vmem>>
    %dma_wait3A_231 = tpu.memref_squeeze %dma_wait3A_230 : memref<1x1x4096xf32, #tpu.memory_space<vmem>> -> memref<1x4096xf32, #tpu.memory_space<vmem>>
    %dma_wait3A_232 = arith.constant 8192 : i32
    %dma_wait3A_233 = tpu.memref_slice %arg4[%add3A_5, %dma_wait3A_232] : memref<64x16384xf32, #tpu.memory_space<hbm>> -> memref<1x4096xf32, #tpu.memory_space<hbm>>
    %dma_wait3A_234 = arith.constant 8192 : i32
    %dma_wait3A_235 = tpu.memref_slice %arg4[%add3A_5, %dma_wait3A_234] : memref<64x16384xf32, #tpu.memory_space<hbm>> -> memref<1x4096xf32, #tpu.memory_space<hbm>>
    %dma_wait3A_236 = arith.constant 0 : i32
    %dma_wait3A_237 = arith.constant 0 : i32
    %dma_wait3A_238 = tpu.memref_slice %arg7[%dma_wait3A_227, %dma_wait3A_236, %dma_wait3A_237] : memref<2x1x4096xf32, #tpu.memory_space<vmem>> -> memref<1x1x4096xf32, #tpu.memory_space<vmem>>
    %dma_wait3A_239 = tpu.memref_squeeze %dma_wait3A_238 : memref<1x1x4096xf32, #tpu.memory_space<vmem>> -> memref<1x4096xf32, #tpu.memory_space<vmem>>
    tpu.wait_dma2 semaphore(%arg10 : memref<!tpu.dma_semaphore, #tpu.memory_space<semaphore_mem>>) src(%dma_wait3A_239 : memref<1x4096xf32, #tpu.memory_space<vmem>>) dst(%dma_wait3A_235 : memref<1x4096xf32, #tpu.memory_space<hbm>>)
    %dma_wait3A_240 = arith.constant 1 : i32
    %dma_wait3A_241 = arith.constant 0 : i32
    %dma_wait3A_242 = arith.constant 0 : i32
    %dma_wait3A_243 = tpu.memref_slice %arg7[%dma_wait3A_240, %dma_wait3A_241, %dma_wait3A_242] : memref<2x1x4096xf32, #tpu.memory_space<vmem>> -> memref<1x1x4096xf32, #tpu.memory_space<vmem>>
    %dma_wait3A_244 = tpu.memref_squeeze %dma_wait3A_243 : memref<1x1x4096xf32, #tpu.memory_space<vmem>> -> memref<1x4096xf32, #tpu.memory_space<vmem>>
    %dma_wait3A_245 = arith.constant 12288 : i32
    %dma_wait3A_246 = tpu.memref_slice %arg4[%add3A_5, %dma_wait3A_245] : memref<64x16384xf32, #tpu.memory_space<hbm>> -> memref<1x4096xf32, #tpu.memory_space<hbm>>
    %dma_wait3A_247 = arith.constant 12288 : i32
    %dma_wait3A_248 = tpu.memref_slice %arg4[%add3A_5, %dma_wait3A_247] : memref<64x16384xf32, #tpu.memory_space<hbm>> -> memref<1x4096xf32, #tpu.memory_space<hbm>>
    %dma_wait3A_249 = arith.constant 0 : i32
    %dma_wait3A_250 = arith.constant 0 : i32
    %dma_wait3A_251 = tpu.memref_slice %arg7[%dma_wait3A_240, %dma_wait3A_249, %dma_wait3A_250] : memref<2x1x4096xf32, #tpu.memory_space<vmem>> -> memref<1x1x4096xf32, #tpu.memory_space<vmem>>
    %dma_wait3A_252 = tpu.memref_squeeze %dma_wait3A_251 : memref<1x1x4096xf32, #tpu.memory_space<vmem>> -> memref<1x4096xf32, #tpu.memory_space<vmem>>
    tpu.wait_dma2 semaphore(%arg11 : memref<!tpu.dma_semaphore, #tpu.memory_space<semaphore_mem>>) src(%dma_wait3A_252 : memref<1x4096xf32, #tpu.memory_space<vmem>>) dst(%dma_wait3A_248 : memref<1x4096xf32, #tpu.memory_space<hbm>>)
    %dma_wait3A_253 = arith.constant 0 : i32
    %dma_wait3A_254 = arith.constant 0 : i32
    %dma_wait3A_255 = arith.constant 0 : i32
    %dma_wait3A_256 = tpu.memref_slice %arg7[%dma_wait3A_253, %dma_wait3A_254, %dma_wait3A_255] : memref<2x1x4096xf32, #tpu.memory_space<vmem>> -> memref<1x1x4096xf32, #tpu.memory_space<vmem>>
    %dma_wait3A_257 = tpu.memref_squeeze %dma_wait3A_256 : memref<1x1x4096xf32, #tpu.memory_space<vmem>> -> memref<1x4096xf32, #tpu.memory_space<vmem>>
    %dma_wait3A_258 = arith.constant 8192 : i32
    %dma_wait3A_259 = tpu.memref_slice %arg4[%add3A_116, %dma_wait3A_258] : memref<64x16384xf32, #tpu.memory_space<hbm>> -> memref<1x4096xf32, #tpu.memory_space<hbm>>
    %dma_wait3A_260 = arith.constant 8192 : i32
    %dma_wait3A_261 = tpu.memref_slice %arg4[%add3A_116, %dma_wait3A_260] : memref<64x16384xf32, #tpu.memory_space<hbm>> -> memref<1x4096xf32, #tpu.memory_space<hbm>>
    %dma_wait3A_262 = arith.constant 0 : i32
    %dma_wait3A_263 = arith.constant 0 : i32
    %dma_wait3A_264 = tpu.memref_slice %arg7[%dma_wait3A_253, %dma_wait3A_262, %dma_wait3A_263] : memref<2x1x4096xf32, #tpu.memory_space<vmem>> -> memref<1x1x4096xf32, #tpu.memory_space<vmem>>
    %dma_wait3A_265 = tpu.memref_squeeze %dma_wait3A_264 : memref<1x1x4096xf32, #tpu.memory_space<vmem>> -> memref<1x4096xf32, #tpu.memory_space<vmem>>
    tpu.wait_dma2 semaphore(%arg10 : memref<!tpu.dma_semaphore, #tpu.memory_space<semaphore_mem>>) src(%dma_wait3A_265 : memref<1x4096xf32, #tpu.memory_space<vmem>>) dst(%dma_wait3A_261 : memref<1x4096xf32, #tpu.memory_space<hbm>>)
    %dma_wait3A_266 = arith.constant 1 : i32
    %dma_wait3A_267 = arith.constant 0 : i32
    %dma_wait3A_268 = arith.constant 0 : i32
    %dma_wait3A_269 = tpu.memref_slice %arg7[%dma_wait3A_266, %dma_wait3A_267, %dma_wait3A_268] : memref<2x1x4096xf32, #tpu.memory_space<vmem>> -> memref<1x1x4096xf32, #tpu.memory_space<vmem>>
    %dma_wait3A_270 = tpu.memref_squeeze %dma_wait3A_269 : memref<1x1x4096xf32, #tpu.memory_space<vmem>> -> memref<1x4096xf32, #tpu.memory_space<vmem>>
    %dma_wait3A_271 = arith.constant 12288 : i32
    %dma_wait3A_272 = tpu.memref_slice %arg4[%add3A_116, %dma_wait3A_271] : memref<64x16384xf32, #tpu.memory_space<hbm>> -> memref<1x4096xf32, #tpu.memory_space<hbm>>
    %dma_wait3A_273 = arith.constant 12288 : i32
    %dma_wait3A_274 = tpu.memref_slice %arg4[%add3A_116, %dma_wait3A_273] : memref<64x16384xf32, #tpu.memory_space<hbm>> -> memref<1x4096xf32, #tpu.memory_space<hbm>>
    %dma_wait3A_275 = arith.constant 0 : i32
    %dma_wait3A_276 = arith.constant 0 : i32
    %dma_wait3A_277 = tpu.memref_slice %arg7[%dma_wait3A_266, %dma_wait3A_275, %dma_wait3A_276] : memref<2x1x4096xf32, #tpu.memory_space<vmem>> -> memref<1x1x4096xf32, #tpu.memory_space<vmem>>
    %dma_wait3A_278 = tpu.memref_squeeze %dma_wait3A_277 : memref<1x1x4096xf32, #tpu.memory_space<vmem>> -> memref<1x4096xf32, #tpu.memory_space<vmem>>
    tpu.wait_dma2 semaphore(%arg11 : memref<!tpu.dma_semaphore, #tpu.memory_space<semaphore_mem>>) src(%dma_wait3A_278 : memref<1x4096xf32, #tpu.memory_space<vmem>>) dst(%dma_wait3A_274 : memref<1x4096xf32, #tpu.memory_space<hbm>>)
    return
  }
}

</mosaic_0001>

<sc_bundles>
// kernel: _run.3.cloned.1.call-start
scs
__scs_entry_jumppad:
0x0: {  	(pc) =	sbr.rel $0x88, $3  }
0x1: {  	(tag) =	ssettag $0x0;
	lr =	simm.s32 $0x1  }
0x2: {  	[smem:$0x3F9F] =	sst lr;
	_ =	strace $0xD0000000  }
0x3: {  	_ = 	snop  }
0x4: {  	_ = 	snop  }
0x5: {  	_ = 	snop  }
0x6: {  	_ = 	snop  }
0x7: {  	_ = 	snop  }
__scs_overlays_trampoline_lowered:
0x8: {  	[smem:$0x3FAE] =	sst s0  }
0x9: {  	[smem:$0x3FAF] =	sst s1  }
0xa: {  	[smem:$0x3FB0] =	sst s2  }
0xb: {  	[smem:$0x3FB1] =	sst s3  }
0xc: {  	[smem:$0x3FB2] =	sst s4  }
0xd: {  	[smem:$0x3FB3] =	sst s5  }
0xe: {  	[smem:$0x3FB4] =	sst s6  }
0xf: {  	[smem:$0x3FB5] =	sst s7  }
0x10: {  	[smem:$0x3FB6] =	sst s8  }
0x11: {  	[smem:$0x3FB7] =	sst s9;
	s0 =	simm.s32 @!p0 $0x0  }
0x12: {  	s1 =	sld [smem:$0x3F9D];
	s0 =	simm.s32 @p0 $0x1  }
0x13: {  	[smem:$0x3FB8] =	sst s0;
	s0 =	simm.s32 @!p1 $0x0  }
0x14: {  	s2 =	sld [smem:$0x3F9C];
	s0 =	simm.s32 @p1 $0x1  }
0x15: {  	[smem:$0x3FB9] =	sst s0;
	s0 =	simm.s32 @!p2 $0x0  }
0x16: {  	s3 =	sld [smem:$0x3FDB];
	s0 =	simm.s32 @p2 $0x1  }
0x17: {  	s4 =	simm.s32 $0x1BF5;
	[smem:$0x3FBB] =	sst s0  }
0x18: {  	s0 =	sld [smem:$0x3F9E];
	_ =	swait.ge [sflag:s4], $0x0  }
0x19: {  	s7 =	sld [smem:$0x3F9F]  }
0x1a: {  	s8 =	sadd.s32 $0xFFFFE003, lr  }
0x1b: {  	s9 =	sadd.s32 $0xFFFFFEF7, lr;
	s5 =	simm.s32 $0xFFFFFFFF;
	p2 =	slt.u32 s8, $0xFFFFF086  }
0x1c: {  	p1 =	slt.u32 s9, $0xF7A;
	s5 =	simm.s32 @!p2 $0x0  }
0x1d: {  	s5 =	simm.s32 @p1 $0x1;
	p0 =	seq.s32 s7, s2  }
0x1e: {  	s7 =	smul.u32 @!p0 $0xF7A, s2;
	p2 =	seq.s32 @!p0 s5, $0x0  }
0x1f: {  	s9 =	smul.u32 $0xF7A, s1;
	s8 =	simm.s32 @!p0 $0x1BF5;
	p2 =	por !p2, p0  }
0x20: {  	[sflag:s8] =	ssyncset.s32 @!p0 $0xFFFFF086;
	s6 =	sadd.s32 @!p0 s3, s7;
	s7 =	simm.s32 @!p0 $0x108  }
0x21: {  	s3 =	sadd.s32 s3, s9;
	s6 =	sadd.s32 @!p0 $0x88, s6;
	s7 =	simm.s32 @p2 $0x1082  }
0x22: {  	[simem:s7], [sflag:s8] =	dma.local @!p0 [hbm:s6], $0xF7A  }
0x23: {  	s9 =	sor.u32 $0xD0000000, s2;
	s6 =	simm.s32 $0x108;
	_ =	swait.ge @!p0 [sflag:s8], $0x0  }
0x24: {  	s3 =	sadd.s32 $0x88, s3;
	s6 =	simm.s32 @!p1 $0x1082;
	[sflag:s4] =	ssyncset.s32 $0xFFFFF086  }
0x25: {  	[simem:s6], [sflag:s4] =	dma.local [hbm:s3], $0xF7A  }
0x26: {  	[smem:$0x3F9F] =	sst s1;
	(tag) =	ssettag s2;
	_ =	strace s9  }
0x27: {  	s1 =	sld [smem:$0x3FAF]  }
0x28: {  	s2 =	sld [smem:$0x3FB0]  }
0x29: {  	s4 =	sld [smem:$0x3FB2]  }
0x2a: {  	p0 =	seq.s32 s5, $0x0;
	s5 =	sld [smem:$0x3FB3]  }
0x2b: {  	s6 =	sld [smem:$0x3FB4]  }
0x2c: {  	s7 =	sld [smem:$0x3FB5]  }
0x2d: {  	s3 =	simm.s32 $0x108;
	s8 =	sld [smem:$0x3FB6]  }
0x2e: {  	s3 =	simm.s32 @!p0 $0x1082;
	s9 =	sld [smem:$0x3FB7]  }
0x2f: {  	lr =	sadd.s32 s0, s3;
	s0 =	sld [smem:$0x3FAE]  }
0x30: {  	s3 =	sld [smem:$0x3FB1]  }
0x31: {  	[smem:$0x3FBA] =	sst s10  }
0x32: {  	s10 =	sld [smem:$0x3FB8];
	_ =	sdelay $0x3  }
0x33: {  	p0 =	seq.s32 s10, $0x1;
	s10 =	sld [smem:$0x3FBA];
	_ =	sdelay $0x3  }
0x34: {  	[smem:$0x3FBA] =	sst s10  }
0x35: {  	s10 =	sld [smem:$0x3FB9];
	_ =	sdelay $0x3  }
0x36: {  	p1 =	seq.s32 s10, $0x1;
	s10 =	sld [smem:$0x3FBA];
	_ =	sdelay $0x3  }
0x37: {  	[smem:$0x3FBA] =	sst s10  }
0x38: {  	s10 =	sld [smem:$0x3FBB]  }
0x39: {  	_ = 	snop;
	(pc) =	sbr.ind lr, $3  }
0x3a: {  	_ = 	snop  }
0x3b: {  	_ = 	snop  }
0x3c: {  	p2 =	seq.s32 s10, $0x1;
	s10 =	sld [smem:$0x3FBA]  }
0x3d: {  	_ =	shalt  }
0x3e: {  	_ =	shalt  }
0x3f: {  	_ =	shalt  }
0x40: {  	_ =	shalt  }
0x41: {  	_ =	shalt  }
0x42: {  	_ =	shalt  }
0x43: {  	_ =	shalt  }
0x44: {  	_ =	shalt  }
0x45: {  	_ =	shalt  }
0x46: {  	_ =	shalt  }
0x47: {  	_ =	shalt  }
0x48: {  	_ =	shalt  }
0x49: {  	_ =	shalt  }
0x4a: {  	_ =	shalt  }
0x4b: {  	_ =	shalt  }
0x4c: {  	_ =	shalt  }
0x4d: {  	_ =	shalt  }
0x4e: {  	_ =	shalt  }
0x4f: {  	_ =	shalt  }
0x50: {  	_ =	shalt  }
0x51: {  	_ =	shalt  }
0x52: {  	_ =	shalt  }
0x53: {  	_ =	shalt  }
0x54: {  	_ =	shalt  }
0x55: {  	_ =	shalt  }
0x56: {  	_ =	shalt  }
0x57: {  	_ =	shalt  }
0x58: {  	_ =	shalt  }
0x59: {  	_ =	shalt  }
0x5a: {  	_ =	shalt  }
0x5b: {  	_ =	shalt  }
0x5c: {  	_ =	shalt  }
0x5d: {  	_ =	shalt  }
0x5e: {  	_ =	shalt  }
0x5f: {  	_ =	shalt  }
0x60: {  	_ =	shalt  }
0x61: {  	_ =	shalt  }
0x62: {  	_ =	shalt  }
0x63: {  	_ =	shalt  }
0x64: {  	_ =	shalt  }
0x65: {  	_ =	shalt  }
0x66: {  	_ =	shalt  }
0x67: {  	_ =	shalt  }
0x68: {  	_ =	shalt  }
0x69: {  	_ =	shalt  }
0x6a: {  	_ =	shalt  }
0x6b: {  	_ =	shalt  }
0x6c: {  	_ =	shalt  }
0x6d: {  	_ =	shalt  }
0x6e: {  	_ =	shalt  }
0x6f: {  	_ =	shalt  }
0x70: {  	_ =	shalt  }
0x71: {  	_ =	shalt  }
0x72: {  	_ =	shalt  }
0x73: {  	_ =	shalt  }
0x74: {  	_ =	shalt  }
0x75: {  	_ =	shalt  }
0x76: {  	_ =	shalt  }
0x77: {  	_ =	shalt  }
0x78: {  	_ =	shalt  }
0x79: {  	_ =	shalt  }
0x7a: {  	_ =	shalt  }
0x7b: {  	_ =	shalt  }
0x7c: {  	_ =	shalt  }
0x7d: {  	_ =	shalt  }
0x7e: {  	_ =	shalt  }
0x7f: {  	_ =	shalt  }
0x80: {  	_ =	shalt  }
0x81: {  	_ =	shalt  }
0x82: {  	_ =	shalt  }
0x83: {  	_ =	shalt  }
0x84: {  	_ =	shalt  }
0x85: {  	_ =	shalt  }
0x86: {  	_ =	shalt  }
0x87: {  	_ =	shalt  }
.Lfunc_end0:
.L_simem_size_0:
called_computation_lowered:
.L_overlay_start_0:
0x88: {  	s2 =	sld [smem:$0x3FD9]  }
0x89: {  	s3 =	sld [smem:$0x3FFE];
	_ =	sdelay $0x1  }
0x8a: {  	s1 =	srdreg.scid  }
0x8b: {  	s0 =	sand.u32 $0x1, s1  }
0x8c: {  	s17 =	sshll.u32 s0, $0xA;
	s2 =	sadd.s32 s3, s2  }
0x8d: {  	s2 =	sadd.s32 s2, s17  }
0x8e: {  	[smem:$0x3FC6] =	sst s2  }
0x8f: {  	_ = 	snop  }
0x90: {  	s2 =	sld [smem:$0x3FD0];
	(tm) =	ssettm $0x1  }
0x91: {  	s18 =	sld [smem:$0x3FFB];
	_ =	sdelay $0x3  }
0x92: {  	_ =	strace s18  }
0x93: {  	s3 =	sld [smem:$0x3FFC];
	_ =	sdelay $0x3  }
0x94: {  	_ =	strace s3  }
0x95: {  	s3 =	sld [smem:$0x3FFD];
	_ =	sdelay $0x3  }
0x96: {  	_ =	strace s3  }
0x97: {  	_ =	strace $0x8FFFFFFF  }
0x98: {  	s19 =	sld [smem:$0x3FDB];
	_ =	sdelay $0x1  }
0x99: {  	s4 =	simm.s32 $_scs_section_size  }
0x9a: {  	s5 =	simm.s32 $_size__tile_overlayer_lowered;
	s6 =	simm.s32 $_tile_overlayer_lowered  }
0x9b: {  	s22 =	simm.s32 $0x1BFF;
	s21 =	sshll.u32 s6, $0x1;
	s3 =	sadd.s32 s4, s19  }
0x9c: {  	s7 =	simm.s32 $0x0;
	s20 =	sshll.u32 s5, $0x1;
	s5 =	sadd.s32 s21, s3  }
0x9d: {  	[timem:s7], [sflag:s22] =	dma.local [hbm:s5], s20  }
0x9e: {  	_ =	swait.ge [sflag:s22], s20  }
0x9f: {  	s4 =	ssub.s32 $0x0, s20;
	[sflag:s22] =	ssyncset.done $0x0  }
0xa0: {  	[sflag:s22] =	ssyncadd.s32 s4;
	_ =	sdelay $0x1  }
0xa1: {  	s23 =	simm.s32 $0x1B8B  }
0xa2: {  	_ =	swait.ge [sflag:s23], $0x1  }
0xa3: {  	[sflag:s23] =	ssyncset.done $0x0  }
0xa4: {  	s25 =	simm.s32 $0x1B8E;
	s24 =	sld [smem:$0x3FFE];
	[sflag:s23] =	ssyncadd.s32 $0xFFFFFFFF  }
0xa5: {  	s26 =	simm.s32 $execute0_lowered;
	[smem:$0x3FD2] =	sst s25  }
0xa6: {  	s5 =	sshll.u32 s26, $0x1;
	_ =	strace $0x80000046;
	[dreg:$0x1] =	wrdreg $0xFFFFFFFF  }
0xa7: {  	s28 =	simm.s32 $_size_execute0_lowered;
	s3 =	sadd.s32 s3, s5;
	[dreg:$0x0] =	wrdreg $0x0  }
0xa8: {  	s5 =	sshll.u32 s28, $0x1;
	[dreg:$0x2] =	wrdreg s3  }
0xa9: {  	[dreg:$0x3] =	wrdreg s5  }
0xaa: {  	[dreg:$0x4] =	wrdreg $0xC0  }
0xab: {  	_ =	task [dreg:s7], $0x5FFFF  }
0xac: {  	[dreg:$0x1] =	wrdreg $0xFFFFFFFF  }
0xad: {  	[dreg:$0x0] =	wrdreg $0x60  }
0xae: {  	[dreg:$0x2] =	wrdreg s2  }
0xaf: {  	[dreg:$0x3] =	wrdreg s24  }
0xb0: {  	[dreg:$0x4] =	wrdreg $0x9  }
0xb1: {  	_ =	task.clear_ibuf [dreg:s7], $0x5FFFF;
	_ =	strace $0x90000046  }
0xb2: {  	s29 =	simm.s32 $0x9;
	_ =	strace $0x80000048  }
0xb3: {  	_ =	swait.ge [sflag:s29], $0x1  }
0xb4: {  	[sflag:s29] =	ssyncadd.s32 $0xFFFFFFFF  }
0xb5: {  	_ =	strace $0x90000048  }
0xb6: {  	_ =	sfence  }
0xb7: {  	s30 =	sld [smem:$0x0];
	_ =	sdelay $0x2  }
0xb8: {  	s31 =	sshll.u32 s1, $0xD;
	s1 =	sshrl.u32 s1, $0x2  }
0xb9: {  	s3 =	sand.u32 $0x4000, s31;
	s1 =	sadd.s32 s1, s30  }
0xba: {  	s0 =	sor.u32 s3, s0;
	s1 =	sshll.u32 s1, $0x11  }
0xbb: {  	s0 =	sor.u32 s1, s0  }
0xbc: {  	s0 =	sadd.s32 $0x8F2B, s0  }
0xbd: {  	[sflag:s0] =	ssyncadd.remote.s32 $0x1  }
0xbe: {  	_ =	sfence.sel $0xFFFF  }
0xbf: {  	[dreg:$0x0] =	wrdreg $0xFFFFFFFF;
	(pc) =	sbr.abs _section_cstart, $3  }
0xc0: {  	[dreg:$0x1] =	wrdreg $0xFFFFFFFF  }
0xc1: {  	_ =	task.clear_ibuf [dreg:s7], $0x2FFFF;
	_ =	strace $0x9FFFFFFF  }
0xc2: {  	(tm) =	ssettm $0x7FFFFFFF  }
0xc3: {  	_ =	shalt  }
tec
execute0_lowered:
.L_overlay_start_1:
0x0: {  	(tag) =	ssettag $0x1  }
0x1: {  	s2 =	rddreg [dreg:$0x0]  }
0x2: {  	s8 =	rddreg [dreg:$0x1];
	s3 =	srdreg.scid  }
0x3: {  	s0 =	rddreg [dreg:$0x2];
	s1 =	stileid.u32  }
0x4: {  	s18 =	simm.s32 $0x1C6A0;
	s19 =	simm.s32 $0x1D6A0;
	s20 =	simm.s32 $0x3  }
0x5: {  	s21 =	simm.s32 $0x4;
	s22 =	simm.s32 $0x0;
	s4 =	sand.u32 $0x1, s3  }
0x6: {  	s3 =	simm.s32 $0x0;
	s5 =	sshll.u32 s1, $0x2;
	s9 =	sadd.s32 $0x400, s8  }
0x7: {  	s10 =	sadd.s32 $0xC3A00, s8;
	s12 =	sadd.s32 $0xC3C00, s8;
	s15 =	sadd.s32 $0xC3E00, s8  }
0x8: {  	s17 =	sadd.s32 $0xC4000, s8;
	s6 =	sshll.u32 s4, $0x1;
	[smem:$0x7FF] =	sst s3  }
0x9: {  	s4 =	ssub.s32 $0x2, s4;
	s6 =	sor.u32 s6, s5;
	_ =	strace $0x80000047  }
0xa: {  	s7 =	sshrl.u32 s4, $0x1;
	s5 =	smul.u32 $0x30D4, s6;
	s11 =	sshll.u32 s6, $0xB  }
0xb: {  	s14 =	ssub.s32 s4, s7;
	s13 =	sor.u32 $0x1, s6;
	s6 =	sadd.s32 s11, s12  }
0xc: {  	s16 =	smul.u32 $0x30D4, s13;
	s7 =	sadd.s32 s11, s15;
	s13 =	sshll.u32 s13, $0xB  }
0xd: {  	s8 =	sadd.s32 s11, s17;
	s14 =	smax.u32 s14, $0x1;
	s4 =	sadd.s32 s9, s5  }
0xe: {  	s5 =	sadd.s32 s10, s11;
	s10 =	sadd.s32 s10, s13;
	s11 =	sadd.s32 s13, s12  }
0xf: {  	s12 =	sadd.s32 s13, s15;
	s13 =	sadd.s32 s13, s17;
	s15 =	simm.s32 $0x186A0  }
0x10: {  	s17 =	simm.s32 $0x2;
	s9 =	sadd.s32 s9, s16;
	s16 =	simm.s32 $0x1  }
.LBB2_1:
0x11: {  	[tilespmem:s15], [sflag:$0x2] =	stream.linear.gather [hbm4b:s2+s3], $0x4000, $0x38;
	[tilespmem:$0x1E6A0] =	vst v63  }
0x12: {  	_ = 	snop  }
0x13: {  	[tilespmem:s3], [sflag:$0x1] =	stream.linear.gather [hbm4b:s4+s3], $0x186A0, $0x38;
	[tilespmem:$0x1E6A0] =	vst v63  }
0x14: {  	_ =	swait.ge [sflag:s16], $0x186A0  }
0x15: {  	[sflag:s16] =	ssyncset.done $0x0  }
0x16: {  	[sflag:s16] =	ssyncadd.s32 $0xFFFE7960  }
0x17: {  	_ =	swait.ge [sflag:s17], $0x4000  }
0x18: {  	[sflag:s17] =	ssyncset.done $0x0  }
0x19: {  	s23 =	simm.s32 $0x0;
	[sflag:s17] =	ssyncadd.s32 $0xFFFFC000  }
0x1a: {  	v0 =	vld [tilespmem:s23+$0x186A0];
	_ =	sdelay $0x4  }
0x1b: {  	v1 =	vtrunc.f32 v0  }
0x1c: {  	v1 =	vcvt.f32.s32 v1;
	_ =	sdelay $0x1  }
0x1d: {  	vm0 =	vlt.s32 v1, $0x1869E  }
0x1e: {  	v1 =	vnsel vm0, $0x1869E, v1  }
0x1f: {  	v2 =	vadd.s32 $0x1, v1;
	_ =	sdelay $0x1  }
0x20: {  	v4 =	vld [tilespmem:s23+$0x186B0];
	_ =	sdelay $0x1  }
0x21: {  	v3 =	vld.idx.msk [tilespmem:v1+s3+$0x0], $0xffff  }
0x22: {  	v2 =	vld.idx.msk [tilespmem:v2+s3+$0x0], $0xffff;
	_ =	sdelay $0x1  }
0x23: {  	v5 =	vtrunc.f32 v4  }
0x24: {  	v5 =	vcvt.f32.s32 v5;
	v1 =	vcvt.s32.f32 v1;
	_ =	sdelay $0x1  }
0x25: {  	vm0 =	vlt.s32 v5, $0x1869E;
	v0 =	vsub.f32 v0, v1;
	v1 =	vsub.f32 v2, v3  }
0x26: {  	v2 =	vnsel vm0, $0x1869E, v5  }
0x27: {  	v5 =	vadd.s32 $0x1, v2;
	v0 =	vmul.f32 v0, v1;
	_ =	sdelay $0x1  }
0x28: {  	v0 =	vadd.f32 v0, v3  }
0x29: {  	s24 =	simm.s32 $0x20  }
0x2a: {  	v1 =	vld [tilespmem:s24+$0x186A0];
	[tilespmem:s23+$0x1C6A0] =	vst v0  }
0x2b: {  	v5 =	vld.idx.msk [tilespmem:v5+s3+$0x0], $0xffff  }
0x2c: {  	v3 =	vld.idx.msk [tilespmem:v2+s3+$0x0], $0xffff  }
0x2d: {  	v0 =	vld [tilespmem:s24+$0x186B0];
	_ =	sdelay $0x2  }
0x2e: {  	v2 =	vcvt.s32.f32 v2;
	v6 =	vtrunc.f32 v1  }
0x2f: {  	v6 =	vcvt.f32.s32 v6  }
0x30: {  	v7 =	vsub.f32 v4, v2;
	v2 =	vtrunc.f32 v0;
	v5 =	vsub.f32 v5, v3  }
0x31: {  	vm0 =	vlt.s32 v6, $0x1869E;
	v2 =	vcvt.f32.s32 v2  }
0x32: {  	v4 =	vnsel vm0, $0x1869E, v6;
	v7 =	vmul.f32 v7, v5  }
0x33: {  	s25 =	simm.s32 $0x100;
	v6 =	vcvt.s32.f32 v4;
	v5 =	vadd.s32 $0x1, v4;
	vm0 =	vlt.s32 v2, $0x1869E  }
.LBB2_2:
0x34: {  	p0 =	sne.s32 s25, $0x3F80;
	v3 =	vadd.f32 v7, v3;
	s26 =	smov.u32 s25;
	s25 =	sadd.s32 $0x80, s25  }
0x35: {  	v1 =	vsub.f32 v1, v6  }
0x36: {  	[tilespmem:s23+$0x1C6B0] =	vst v3;
	s23 =	smov.u32 s24  }
0x37: {  	v3 =	vld.idx.msk [tilespmem:v4+s3+$0x0], $0xffff  }
0x38: {  	v4 =	vld.idx.msk [tilespmem:v5+s3+$0x0], $0xffff;
	_ =	sdelay $0x5  }
0x39: {  	v4 =	vsub.f32 v4, v3  }
0x3a: {  	v2 =	vnsel vm0, $0x1869E, v2  }
0x3b: {  	v5 =	vadd.s32 $0x1, v2;
	v1 =	vmul.f32 v1, v4;
	v4 =	vcvt.s32.f32 v2;
	_ =	sdelay $0x1  }
0x3c: {  	v3 =	vadd.f32 v1, v3;
	v6 =	vsub.f32 v0, v4  }
0x3d: {  	s24 =	sshra.s32 s26, $0x2  }
0x3e: {  	v1 =	vld [tilespmem:s24+$0x186A0];
	[tilespmem:s23+$0x1C6A0] =	vst v3  }
0x3f: {  	v4 =	vld.idx.msk [tilespmem:v5+s3+$0x0], $0xffff  }
0x40: {  	v3 =	vld.idx.msk [tilespmem:v2+s3+$0x0], $0xffff  }
0x41: {  	v0 =	vld [tilespmem:s24+$0x186B0];
	_ =	sdelay $0x2  }
0x42: {  	v2 =	vtrunc.f32 v1  }
.Ltmp0:
0x43: {  	v5 =	vcvt.f32.s32 v2;
	(pc) =	sbr.rel @p0 .LBB2_2-.Ltmp0, $4  }
0x44: {  	v7 =	vsub.f32 v4, v3;
	v2 =	vtrunc.f32 v0  }
0x45: {  	vm0 =	vlt.s32 v5, $0x1869E;
	v2 =	vcvt.f32.s32 v2  }
0x46: {  	v4 =	vnsel vm0, $0x1869E, v5;
	v7 =	vmul.f32 v6, v7  }
0x47: {  	v6 =	vcvt.s32.f32 v4;
	v5 =	vadd.s32 $0x1, v4;
	vm0 =	vlt.s32 v2, $0x1869E  }
0x48: {  	_ = 	snop  }
0x49: {  	v3 =	vadd.f32 v7, v3;
	_ =	sdelay $0x1  }
0x4a: {  	[tilespmem:s23+$0x1C6B0] =	vst v3  }
0x4b: {  	v3 =	vld.idx.msk [tilespmem:v4+s3+$0x0], $0xffff  }
0x4c: {  	v4 =	vld.idx.msk [tilespmem:v5+s3+$0x0], $0xffff;
	_ =	sdelay $0x4  }
0x4d: {  	v1 =	vsub.f32 v1, v6;
	v4 =	vsub.f32 v4, v3  }
0x4e: {  	v2 =	vnsel vm0, $0x1869E, v2  }
0x4f: {  	v1 =	vmul.f32 v1, v4;
	v4 =	vadd.s32 $0x1, v2;
	_ =	sdelay $0x1  }
0x50: {  	v1 =	vadd.f32 v1, v3;
	_ =	sdelay $0x1  }
0x51: {  	[tilespmem:s24+$0x1C6A0] =	vst v1  }
0x52: {  	v1 =	vld.idx.msk [tilespmem:v4+s3+$0x0], $0xffff  }
0x53: {  	v3 =	vld.idx.msk [tilespmem:v2+s3+$0x0], $0xffff;
	_ =	sdelay $0x2  }
0x54: {  	v2 =	vcvt.s32.f32 v2;
	_ =	sdelay $0x1  }
0x55: {  	v0 =	vsub.f32 v0, v2;
	v1 =	vsub.f32 v1, v3;
	_ =	sdelay $0x1  }
0x56: {  	v0 =	vmul.f32 v0, v1;
	_ =	sdelay $0x1  }
0x57: {  	v0 =	vadd.f32 v0, v3;
	_ =	sdelay $0x1  }
0x58: {  	s31 =	simm.s32 $0x0;
	s23 =	simm.s32 $0x0;
	[tilespmem:s24+$0x1C6B0] =	vst v0  }
0x59: {  	[hbm4b:s5+s31] =	stream.linear.scatter [tilespmem:s18], [sflag:$0x3], $0x1000, $0x38;
	[tilespmem:$0x1E6A0] =	vst v63  }
0x5a: {  	v0 =	vld [tilespmem:s23+$0x196A0];
	_ =	sdelay $0x4  }
0x5b: {  	v1 =	vtrunc.f32 v0  }
0x5c: {  	v1 =	vcvt.f32.s32 v1;
	_ =	sdelay $0x1  }
0x5d: {  	vm0 =	vlt.s32 v1, $0x1869E  }
0x5e: {  	v1 =	vnsel vm0, $0x1869E, v1  }
0x5f: {  	v2 =	vadd.s32 $0x1, v1;
	_ =	sdelay $0x1  }
0x60: {  	v4 =	vld [tilespmem:s23+$0x196B0];
	_ =	sdelay $0x1  }
0x61: {  	v3 =	vld.idx.msk [tilespmem:v1+s3+$0x0], $0xffff  }
0x62: {  	v2 =	vld.idx.msk [tilespmem:v2+s3+$0x0], $0xffff;
	_ =	sdelay $0x1  }
0x63: {  	v5 =	vtrunc.f32 v4  }
0x64: {  	v5 =	vcvt.f32.s32 v5;
	v1 =	vcvt.s32.f32 v1;
	_ =	sdelay $0x1  }
0x65: {  	vm0 =	vlt.s32 v5, $0x1869E;
	v0 =	vsub.f32 v0, v1;
	v1 =	vsub.f32 v2, v3  }
0x66: {  	v2 =	vnsel vm0, $0x1869E, v5  }
0x67: {  	v5 =	vadd.s32 $0x1, v2;
	v0 =	vmul.f32 v0, v1;
	_ =	sdelay $0x1  }
0x68: {  	v0 =	vadd.f32 v0, v3  }
0x69: {  	s24 =	simm.s32 $0x20  }
0x6a: {  	v1 =	vld [tilespmem:s24+$0x196A0];
	[tilespmem:s23+$0x1D6A0] =	vst v0  }
0x6b: {  	v5 =	vld.idx.msk [tilespmem:v5+s3+$0x0], $0xffff  }
0x6c: {  	v3 =	vld.idx.msk [tilespmem:v2+s3+$0x0], $0xffff  }
0x6d: {  	v0 =	vld [tilespmem:s24+$0x196B0];
	_ =	sdelay $0x2  }
0x6e: {  	v2 =	vcvt.s32.f32 v2;
	v6 =	vtrunc.f32 v1  }
0x6f: {  	v6 =	vcvt.f32.s32 v6  }
0x70: {  	v7 =	vsub.f32 v4, v2;
	v2 =	vtrunc.f32 v0;
	v5 =	vsub.f32 v5, v3  }
0x71: {  	vm0 =	vlt.s32 v6, $0x1869E;
	v2 =	vcvt.f32.s32 v2  }
0x72: {  	v4 =	vnsel vm0, $0x1869E, v6;
	v7 =	vmul.f32 v7, v5  }
0x73: {  	s25 =	simm.s32 $0x100;
	v6 =	vcvt.s32.f32 v4;
	v5 =	vadd.s32 $0x1, v4;
	vm0 =	vlt.s32 v2, $0x1869E  }
.LBB2_4:
0x74: {  	p0 =	sne.s32 s25, $0x3F80;
	v3 =	vadd.f32 v7, v3;
	s26 =	smov.u32 s25;
	s25 =	sadd.s32 $0x80, s25  }
0x75: {  	v1 =	vsub.f32 v1, v6  }
0x76: {  	[tilespmem:s23+$0x1D6B0] =	vst v3;
	s23 =	smov.u32 s24  }
0x77: {  	v3 =	vld.idx.msk [tilespmem:v4+s3+$0x0], $0xffff  }
0x78: {  	v4 =	vld.idx.msk [tilespmem:v5+s3+$0x0], $0xffff;
	_ =	sdelay $0x5  }
0x79: {  	v4 =	vsub.f32 v4, v3  }
0x7a: {  	v2 =	vnsel vm0, $0x1869E, v2  }
0x7b: {  	v5 =	vadd.s32 $0x1, v2;
	v1 =	vmul.f32 v1, v4;
	v4 =	vcvt.s32.f32 v2;
	_ =	sdelay $0x1  }
0x7c: {  	v3 =	vadd.f32 v1, v3;
	v6 =	vsub.f32 v0, v4  }
0x7d: {  	s24 =	sshra.s32 s26, $0x2  }
0x7e: {  	v1 =	vld [tilespmem:s24+$0x196A0];
	[tilespmem:s23+$0x1D6A0] =	vst v3  }
0x7f: {  	v4 =	vld.idx.msk [tilespmem:v5+s3+$0x0], $0xffff  }
0x80: {  	v3 =	vld.idx.msk [tilespmem:v2+s3+$0x0], $0xffff  }
0x81: {  	v0 =	vld [tilespmem:s24+$0x196B0];
	_ =	sdelay $0x2  }
0x82: {  	v2 =	vtrunc.f32 v1  }
.Ltmp1:
0x83: {  	v5 =	vcvt.f32.s32 v2;
	(pc) =	sbr.rel @p0 .LBB2_4-.Ltmp1, $4  }
0x84: {  	v7 =	vsub.f32 v4, v3;
	v2 =	vtrunc.f32 v0  }
0x85: {  	vm0 =	vlt.s32 v5, $0x1869E;
	v2 =	vcvt.f32.s32 v2  }
0x86: {  	v4 =	vnsel vm0, $0x1869E, v5;
	v7 =	vmul.f32 v6, v7  }
0x87: {  	v6 =	vcvt.s32.f32 v4;
	v5 =	vadd.s32 $0x1, v4;
	vm0 =	vlt.s32 v2, $0x1869E  }
0x88: {  	_ = 	snop  }
0x89: {  	v3 =	vadd.f32 v7, v3;
	_ =	sdelay $0x1  }
0x8a: {  	[tilespmem:s23+$0x1D6B0] =	vst v3  }
0x8b: {  	v3 =	vld.idx.msk [tilespmem:v4+s3+$0x0], $0xffff  }
0x8c: {  	v4 =	vld.idx.msk [tilespmem:v5+s3+$0x0], $0xffff;
	_ =	sdelay $0x4  }
0x8d: {  	v1 =	vsub.f32 v1, v6;
	v4 =	vsub.f32 v4, v3  }
0x8e: {  	v2 =	vnsel vm0, $0x1869E, v2  }
0x8f: {  	v1 =	vmul.f32 v1, v4;
	v4 =	vadd.s32 $0x1, v2;
	_ =	sdelay $0x1  }
0x90: {  	v1 =	vadd.f32 v1, v3;
	_ =	sdelay $0x1  }
0x91: {  	[tilespmem:s24+$0x1D6A0] =	vst v1  }
0x92: {  	v1 =	vld.idx.msk [tilespmem:v4+s3+$0x0], $0xffff  }
0x93: {  	v3 =	vld.idx.msk [tilespmem:v2+s3+$0x0], $0xffff;
	_ =	sdelay $0x2  }
0x94: {  	v2 =	vcvt.s32.f32 v2;
	_ =	sdelay $0x1  }
0x95: {  	v0 =	vsub.f32 v0, v2;
	v1 =	vsub.f32 v1, v3;
	_ =	sdelay $0x1  }
0x96: {  	v0 =	vmul.f32 v0, v1;
	_ =	sdelay $0x1  }
0x97: {  	v0 =	vadd.f32 v0, v3;
	_ =	sdelay $0x1  }
0x98: {  	s31 =	simm.s32 $0x0;
	[tilespmem:s24+$0x1D6B0] =	vst v0  }
0x99: {  	[hbm4b:s6+s31] =	stream.linear.scatter [tilespmem:s19], [sflag:$0x4], $0x1000, $0x38;
	[tilespmem:$0x1E6A0] =	vst v63  }
0x9a: {  	_ =	swait.ge [sflag:s20], $0x1000  }
0x9b: {  	[sflag:s20] =	ssyncset.done $0x0  }
0x9c: {  	s23 =	simm.s32 $0x0;
	[sflag:s20] =	ssyncadd.s32 $0xFFFFF000  }
0x9d: {  	v0 =	vld [tilespmem:s23+$0x1A6A0];
	_ =	sdelay $0x4  }
0x9e: {  	v1 =	vtrunc.f32 v0  }
0x9f: {  	v1 =	vcvt.f32.s32 v1;
	_ =	sdelay $0x1  }
0xa0: {  	vm0 =	vlt.s32 v1, $0x1869E  }
0xa1: {  	v1 =	vnsel vm0, $0x1869E, v1  }
0xa2: {  	v2 =	vadd.s32 $0x1, v1;
	_ =	sdelay $0x1  }
0xa3: {  	v4 =	vld [tilespmem:s23+$0x1A6B0];
	_ =	sdelay $0x1  }
0xa4: {  	v3 =	vld.idx.msk [tilespmem:v1+s3+$0x0], $0xffff  }
0xa5: {  	v2 =	vld.idx.msk [tilespmem:v2+s3+$0x0], $0xffff;
	_ =	sdelay $0x1  }
0xa6: {  	v5 =	vtrunc.f32 v4  }
0xa7: {  	v5 =	vcvt.f32.s32 v5;
	v1 =	vcvt.s32.f32 v1;
	_ =	sdelay $0x1  }
0xa8: {  	vm0 =	vlt.s32 v5, $0x1869E;
	v0 =	vsub.f32 v0, v1;
	v1 =	vsub.f32 v2, v3  }
0xa9: {  	v2 =	vnsel vm0, $0x1869E, v5  }
0xaa: {  	v5 =	vadd.s32 $0x1, v2;
	v0 =	vmul.f32 v0, v1;
	_ =	sdelay $0x1  }
0xab: {  	v0 =	vadd.f32 v0, v3  }
0xac: {  	s24 =	simm.s32 $0x20  }
0xad: {  	v1 =	vld [tilespmem:s24+$0x1A6A0];
	[tilespmem:s23+$0x1C6A0] =	vst v0  }
0xae: {  	v5 =	vld.idx.msk [tilespmem:v5+s3+$0x0], $0xffff  }
0xaf: {  	v3 =	vld.idx.msk [tilespmem:v2+s3+$0x0], $0xffff  }
0xb0: {  	v0 =	vld [tilespmem:s24+$0x1A6B0];
	_ =	sdelay $0x2  }
0xb1: {  	v2 =	vcvt.s32.f32 v2;
	v6 =	vtrunc.f32 v1  }
0xb2: {  	v6 =	vcvt.f32.s32 v6  }
0xb3: {  	v7 =	vsub.f32 v4, v2;
	v2 =	vtrunc.f32 v0;
	v5 =	vsub.f32 v5, v3  }
0xb4: {  	vm0 =	vlt.s32 v6, $0x1869E;
	v2 =	vcvt.f32.s32 v2  }
0xb5: {  	v4 =	vnsel vm0, $0x1869E, v6;
	v7 =	vmul.f32 v7, v5  }
0xb6: {  	s25 =	simm.s32 $0x100;
	v6 =	vcvt.s32.f32 v4;
	v5 =	vadd.s32 $0x1, v4;
	vm0 =	vlt.s32 v2, $0x1869E  }
.LBB2_6:
0xb7: {  	p0 =	sne.s32 s25, $0x3F80;
	v3 =	vadd.f32 v7, v3;
	s26 =	smov.u32 s25;
	s25 =	sadd.s32 $0x80, s25  }
0xb8: {  	v1 =	vsub.f32 v1, v6  }
0xb9: {  	[tilespmem:s23+$0x1C6B0] =	vst v3;
	s23 =	smov.u32 s24  }
0xba: {  	v3 =	vld.idx.msk [tilespmem:v4+s3+$0x0], $0xffff  }
0xbb: {  	v4 =	vld.idx.msk [tilespmem:v5+s3+$0x0], $0xffff;
	_ =	sdelay $0x5  }
0xbc: {  	v4 =	vsub.f32 v4, v3  }
0xbd: {  	v2 =	vnsel vm0, $0x1869E, v2  }
0xbe: {  	v5 =	vadd.s32 $0x1, v2;
	v1 =	vmul.f32 v1, v4;
	v4 =	vcvt.s32.f32 v2;
	_ =	sdelay $0x1  }
0xbf: {  	v3 =	vadd.f32 v1, v3;
	v6 =	vsub.f32 v0, v4  }
0xc0: {  	s24 =	sshra.s32 s26, $0x2  }
0xc1: {  	v1 =	vld [tilespmem:s24+$0x1A6A0];
	[tilespmem:s23+$0x1C6A0] =	vst v3  }
0xc2: {  	v4 =	vld.idx.msk [tilespmem:v5+s3+$0x0], $0xffff  }
0xc3: {  	v3 =	vld.idx.msk [tilespmem:v2+s3+$0x0], $0xffff  }
0xc4: {  	v0 =	vld [tilespmem:s24+$0x1A6B0];
	_ =	sdelay $0x2  }
0xc5: {  	v2 =	vtrunc.f32 v1  }
.Ltmp2:
0xc6: {  	v5 =	vcvt.f32.s32 v2;
	(pc) =	sbr.rel @p0 .LBB2_6-.Ltmp2, $4  }
0xc7: {  	v7 =	vsub.f32 v4, v3;
	v2 =	vtrunc.f32 v0  }
0xc8: {  	vm0 =	vlt.s32 v5, $0x1869E;
	v2 =	vcvt.f32.s32 v2  }
0xc9: {  	v4 =	vnsel vm0, $0x1869E, v5;
	v7 =	vmul.f32 v6, v7  }
0xca: {  	v6 =	vcvt.s32.f32 v4;
	v5 =	vadd.s32 $0x1, v4;
	vm0 =	vlt.s32 v2, $0x1869E  }
0xcb: {  	_ = 	snop  }
0xcc: {  	v3 =	vadd.f32 v7, v3;
	_ =	sdelay $0x1  }
0xcd: {  	[tilespmem:s23+$0x1C6B0] =	vst v3  }
0xce: {  	v3 =	vld.idx.msk [tilespmem:v4+s3+$0x0], $0xffff  }
0xcf: {  	v4 =	vld.idx.msk [tilespmem:v5+s3+$0x0], $0xffff;
	_ =	sdelay $0x4  }
0xd0: {  	v1 =	vsub.f32 v1, v6;
	v4 =	vsub.f32 v4, v3  }
0xd1: {  	v2 =	vnsel vm0, $0x1869E, v2  }
0xd2: {  	v1 =	vmul.f32 v1, v4;
	v4 =	vadd.s32 $0x1, v2;
	_ =	sdelay $0x1  }
0xd3: {  	v1 =	vadd.f32 v1, v3;
	_ =	sdelay $0x1  }
0xd4: {  	[tilespmem:s24+$0x1C6A0] =	vst v1  }
0xd5: {  	v1 =	vld.idx.msk [tilespmem:v4+s3+$0x0], $0xffff  }
0xd6: {  	v3 =	vld.idx.msk [tilespmem:v2+s3+$0x0], $0xffff;
	_ =	sdelay $0x2  }
0xd7: {  	v2 =	vcvt.s32.f32 v2;
	_ =	sdelay $0x1  }
0xd8: {  	v0 =	vsub.f32 v0, v2;
	v1 =	vsub.f32 v1, v3;
	_ =	sdelay $0x1  }
0xd9: {  	v0 =	vmul.f32 v0, v1;
	_ =	sdelay $0x1  }
0xda: {  	v0 =	vadd.f32 v0, v3;
	_ =	sdelay $0x1  }
0xdb: {  	s31 =	simm.s32 $0x0;
	[tilespmem:s24+$0x1C6B0] =	vst v0  }
0xdc: {  	[hbm4b:s7+s31] =	stream.linear.scatter [tilespmem:s18], [sflag:$0x3], $0x1000, $0x38;
	[tilespmem:$0x1E6A0] =	vst v63  }
0xdd: {  	_ =	swait.ge [sflag:s21], $0x1000  }
0xde: {  	[sflag:s21] =	ssyncset.done $0x0  }
0xdf: {  	s23 =	simm.s32 $0x0;
	[sflag:s21] =	ssyncadd.s32 $0xFFFFF000  }
0xe0: {  	v0 =	vld [tilespmem:s23+$0x1B6A0];
	_ =	sdelay $0x4  }
0xe1: {  	v1 =	vtrunc.f32 v0  }
0xe2: {  	v1 =	vcvt.f32.s32 v1;
	_ =	sdelay $0x1  }
0xe3: {  	vm0 =	vlt.s32 v1, $0x1869E  }
0xe4: {  	v1 =	vnsel vm0, $0x1869E, v1  }
0xe5: {  	v2 =	vadd.s32 $0x1, v1;
	_ =	sdelay $0x1  }
0xe6: {  	v4 =	vld [tilespmem:s23+$0x1B6B0];
	_ =	sdelay $0x1  }
0xe7: {  	v3 =	vld.idx.msk [tilespmem:v1+s3+$0x0], $0xffff  }
0xe8: {  	v2 =	vld.idx.msk [tilespmem:v2+s3+$0x0], $0xffff;
	_ =	sdelay $0x1  }
0xe9: {  	v5 =	vtrunc.f32 v4  }
0xea: {  	v5 =	vcvt.f32.s32 v5;
	v1 =	vcvt.s32.f32 v1;
	_ =	sdelay $0x1  }
0xeb: {  	vm0 =	vlt.s32 v5, $0x1869E;
	v0 =	vsub.f32 v0, v1;
	v1 =	vsub.f32 v2, v3  }
0xec: {  	v2 =	vnsel vm0, $0x1869E, v5  }
0xed: {  	v5 =	vadd.s32 $0x1, v2;
	v0 =	vmul.f32 v0, v1;
	_ =	sdelay $0x1  }
0xee: {  	v0 =	vadd.f32 v0, v3  }
0xef: {  	s24 =	simm.s32 $0x20  }
0xf0: {  	v1 =	vld [tilespmem:s24+$0x1B6A0];
	[tilespmem:s23+$0x1D6A0] =	vst v0  }
0xf1: {  	v5 =	vld.idx.msk [tilespmem:v5+s3+$0x0], $0xffff  }
0xf2: {  	v3 =	vld.idx.msk [tilespmem:v2+s3+$0x0], $0xffff  }
0xf3: {  	v0 =	vld [tilespmem:s24+$0x1B6B0];
	_ =	sdelay $0x2  }
0xf4: {  	v2 =	vcvt.s32.f32 v2;
	v6 =	vtrunc.f32 v1  }
0xf5: {  	v6 =	vcvt.f32.s32 v6  }
0xf6: {  	v7 =	vsub.f32 v4, v2;
	v2 =	vtrunc.f32 v0;
	v5 =	vsub.f32 v5, v3  }
0xf7: {  	vm0 =	vlt.s32 v6, $0x1869E;
	v2 =	vcvt.f32.s32 v2  }
0xf8: {  	v4 =	vnsel vm0, $0x1869E, v6;
	v7 =	vmul.f32 v7, v5  }
0xf9: {  	s25 =	simm.s32 $0x100;
	v6 =	vcvt.s32.f32 v4;
	v5 =	vadd.s32 $0x1, v4;
	vm0 =	vlt.s32 v2, $0x1869E  }
.LBB2_8:
0xfa: {  	p0 =	sne.s32 s25, $0x3F80;
	v3 =	vadd.f32 v7, v3;
	s26 =	smov.u32 s25;
	s25 =	sadd.s32 $0x80, s25  }
0xfb: {  	v1 =	vsub.f32 v1, v6  }
0xfc: {  	[tilespmem:s23+$0x1D6B0] =	vst v3;
	s23 =	smov.u32 s24  }
0xfd: {  	v3 =	vld.idx.msk [tilespmem:v4+s3+$0x0], $0xffff  }
0xfe: {  	v4 =	vld.idx.msk [tilespmem:v5+s3+$0x0], $0xffff;
	_ =	sdelay $0x5  }
0xff: {  	v4 =	vsub.f32 v4, v3  }
0x100: {  	v2 =	vnsel vm0, $0x1869E, v2  }
0x101: {  	v5 =	vadd.s32 $0x1, v2;
	v1 =	vmul.f32 v1, v4;
	v4 =	vcvt.s32.f32 v2;
	_ =	sdelay $0x1  }
0x102: {  	v3 =	vadd.f32 v1, v3;
	v6 =	vsub.f32 v0, v4  }
0x103: {  	s24 =	sshra.s32 s26, $0x2  }
0x104: {  	v1 =	vld [tilespmem:s24+$0x1B6A0];
	[tilespmem:s23+$0x1D6A0] =	vst v3  }
0x105: {  	v4 =	vld.idx.msk [tilespmem:v5+s3+$0x0], $0xffff  }
0x106: {  	v3 =	vld.idx.msk [tilespmem:v2+s3+$0x0], $0xffff  }
0x107: {  	v0 =	vld [tilespmem:s24+$0x1B6B0];
	_ =	sdelay $0x2  }
0x108: {  	v2 =	vtrunc.f32 v1  }
.Ltmp3:
0x109: {  	v5 =	vcvt.f32.s32 v2;
	(pc) =	sbr.rel @p0 .LBB2_8-.Ltmp3, $4  }
0x10a: {  	v7 =	vsub.f32 v4, v3;
	v2 =	vtrunc.f32 v0  }
0x10b: {  	vm0 =	vlt.s32 v5, $0x1869E;
	v2 =	vcvt.f32.s32 v2  }
0x10c: {  	v4 =	vnsel vm0, $0x1869E, v5;
	v7 =	vmul.f32 v6, v7  }
0x10d: {  	v6 =	vcvt.s32.f32 v4;
	v5 =	vadd.s32 $0x1, v4;
	vm0 =	vlt.s32 v2, $0x1869E  }
0x10e: {  	_ = 	snop  }
0x10f: {  	v3 =	vadd.f32 v7, v3;
	_ =	sdelay $0x1  }
0x110: {  	[tilespmem:s23+$0x1D6B0] =	vst v3  }
0x111: {  	v3 =	vld.idx.msk [tilespmem:v4+s3+$0x0], $0xffff  }
0x112: {  	v4 =	vld.idx.msk [tilespmem:v5+s3+$0x0], $0xffff;
	_ =	sdelay $0x4  }
0x113: {  	v1 =	vsub.f32 v1, v6;
	v4 =	vsub.f32 v4, v3  }
0x114: {  	v2 =	vnsel vm0, $0x1869E, v2  }
0x115: {  	v1 =	vmul.f32 v1, v4;
	v4 =	vadd.s32 $0x1, v2;
	_ =	sdelay $0x1  }
0x116: {  	v1 =	vadd.f32 v1, v3;
	_ =	sdelay $0x1  }
0x117: {  	[tilespmem:s24+$0x1D6A0] =	vst v1  }
0x118: {  	v1 =	vld.idx.msk [tilespmem:v4+s3+$0x0], $0xffff  }
0x119: {  	v3 =	vld.idx.msk [tilespmem:v2+s3+$0x0], $0xffff;
	_ =	sdelay $0x2  }
0x11a: {  	v2 =	vcvt.s32.f32 v2;
	_ =	sdelay $0x1  }
0x11b: {  	v0 =	vsub.f32 v0, v2;
	v1 =	vsub.f32 v1, v3;
	_ =	sdelay $0x1  }
0x11c: {  	v0 =	vmul.f32 v0, v1;
	_ =	sdelay $0x1  }
0x11d: {  	v0 =	vadd.f32 v0, v3;
	_ =	sdelay $0x1  }
0x11e: {  	s31 =	simm.s32 $0x0;
	[tilespmem:s24+$0x1D6B0] =	vst v0  }
0x11f: {  	[hbm4b:s8+s31] =	stream.linear.scatter [tilespmem:s19], [sflag:$0x4], $0x1000, $0x38;
	[tilespmem:$0x1E6A0] =	vst v63  }
0x120: {  	_ = 	snop  }
0x121: {  	[tilespmem:s31], [sflag:$0x1] =	stream.linear.gather [hbm4b:s9+s31], $0x186A0, $0x38;
	[tilespmem:$0x1E6A0] =	vst v63  }
0x122: {  	_ =	swait.ge [sflag:s16], $0x186A0  }
0x123: {  	[sflag:s16] =	ssyncset.done $0x0  }
0x124: {  	s23 =	simm.s32 $0x0;
	[sflag:s16] =	ssyncadd.s32 $0xFFFE7960  }
0x125: {  	v0 =	vld [tilespmem:s23+$0x186A0];
	_ =	sdelay $0x4  }
0x126: {  	v1 =	vtrunc.f32 v0  }
0x127: {  	v1 =	vcvt.f32.s32 v1;
	_ =	sdelay $0x1  }
0x128: {  	vm0 =	vlt.s32 v1, $0x1869E  }
0x129: {  	v1 =	vnsel vm0, $0x1869E, v1  }
0x12a: {  	v2 =	vadd.s32 $0x1, v1;
	_ =	sdelay $0x1  }
0x12b: {  	v4 =	vld [tilespmem:s23+$0x186B0];
	_ =	sdelay $0x1  }
0x12c: {  	v3 =	vld.idx.msk [tilespmem:v1+s3+$0x0], $0xffff  }
0x12d: {  	v2 =	vld.idx.msk [tilespmem:v2+s3+$0x0], $0xffff;
	_ =	sdelay $0x1  }
0x12e: {  	v5 =	vtrunc.f32 v4  }
0x12f: {  	v5 =	vcvt.f32.s32 v5;
	v1 =	vcvt.s32.f32 v1;
	_ =	sdelay $0x1  }
0x130: {  	vm0 =	vlt.s32 v5, $0x1869E;
	v0 =	vsub.f32 v0, v1;
	v1 =	vsub.f32 v2, v3  }
0x131: {  	v2 =	vnsel vm0, $0x1869E, v5  }
0x132: {  	v5 =	vadd.s32 $0x1, v2;
	v0 =	vmul.f32 v0, v1;
	_ =	sdelay $0x1  }
0x133: {  	v0 =	vadd.f32 v0, v3  }
0x134: {  	s24 =	simm.s32 $0x20  }
0x135: {  	v1 =	vld [tilespmem:s24+$0x186A0];
	[tilespmem:s23+$0x1C6A0] =	vst v0  }
0x136: {  	v5 =	vld.idx.msk [tilespmem:v5+s3+$0x0], $0xffff  }
0x137: {  	v3 =	vld.idx.msk [tilespmem:v2+s3+$0x0], $0xffff  }
0x138: {  	v0 =	vld [tilespmem:s24+$0x186B0];
	_ =	sdelay $0x2  }
0x139: {  	v2 =	vcvt.s32.f32 v2;
	v6 =	vtrunc.f32 v1  }
0x13a: {  	v6 =	vcvt.f32.s32 v6  }
0x13b: {  	v7 =	vsub.f32 v4, v2;
	v2 =	vtrunc.f32 v0;
	v5 =	vsub.f32 v5, v3  }
0x13c: {  	vm0 =	vlt.s32 v6, $0x1869E;
	v2 =	vcvt.f32.s32 v2  }
0x13d: {  	v4 =	vnsel vm0, $0x1869E, v6;
	v7 =	vmul.f32 v7, v5  }
0x13e: {  	s25 =	simm.s32 $0x100;
	v6 =	vcvt.s32.f32 v4;
	v5 =	vadd.s32 $0x1, v4;
	vm0 =	vlt.s32 v2, $0x1869E  }
.LBB2_10:
0x13f: {  	p0 =	sne.s32 s25, $0x3F80;
	v3 =	vadd.f32 v7, v3;
	s26 =	smov.u32 s25;
	s25 =	sadd.s32 $0x80, s25  }
0x140: {  	v1 =	vsub.f32 v1, v6  }
0x141: {  	[tilespmem:s23+$0x1C6B0] =	vst v3;
	s23 =	smov.u32 s24  }
0x142: {  	v3 =	vld.idx.msk [tilespmem:v4+s3+$0x0], $0xffff  }
0x143: {  	v4 =	vld.idx.msk [tilespmem:v5+s3+$0x0], $0xffff;
	_ =	sdelay $0x5  }
0x144: {  	v4 =	vsub.f32 v4, v3  }
0x145: {  	v2 =	vnsel vm0, $0x1869E, v2  }
0x146: {  	v5 =	vadd.s32 $0x1, v2;
	v1 =	vmul.f32 v1, v4;
	v4 =	vcvt.s32.f32 v2;
	_ =	sdelay $0x1  }
0x147: {  	v3 =	vadd.f32 v1, v3;
	v6 =	vsub.f32 v0, v4  }
0x148: {  	s24 =	sshra.s32 s26, $0x2  }
0x149: {  	v1 =	vld [tilespmem:s24+$0x186A0];
	[tilespmem:s23+$0x1C6A0] =	vst v3  }
0x14a: {  	v4 =	vld.idx.msk [tilespmem:v5+s3+$0x0], $0xffff  }
0x14b: {  	v3 =	vld.idx.msk [tilespmem:v2+s3+$0x0], $0xffff  }
0x14c: {  	v0 =	vld [tilespmem:s24+$0x186B0];
	_ =	sdelay $0x2  }
0x14d: {  	v2 =	vtrunc.f32 v1  }
.Ltmp4:
0x14e: {  	v5 =	vcvt.f32.s32 v2;
	(pc) =	sbr.rel @p0 .LBB2_10-.Ltmp4, $4  }
0x14f: {  	v7 =	vsub.f32 v4, v3;
	v2 =	vtrunc.f32 v0  }
0x150: {  	vm0 =	vlt.s32 v5, $0x1869E;
	v2 =	vcvt.f32.s32 v2  }
0x151: {  	v4 =	vnsel vm0, $0x1869E, v5;
	v7 =	vmul.f32 v6, v7  }
0x152: {  	v6 =	vcvt.s32.f32 v4;
	v5 =	vadd.s32 $0x1, v4;
	vm0 =	vlt.s32 v2, $0x1869E  }
0x153: {  	_ = 	snop  }
0x154: {  	v3 =	vadd.f32 v7, v3;
	_ =	sdelay $0x1  }
0x155: {  	[tilespmem:s23+$0x1C6B0] =	vst v3  }
0x156: {  	v3 =	vld.idx.msk [tilespmem:v4+s3+$0x0], $0xffff  }
0x157: {  	v4 =	vld.idx.msk [tilespmem:v5+s3+$0x0], $0xffff;
	_ =	sdelay $0x4  }
0x158: {  	v1 =	vsub.f32 v1, v6;
	v4 =	vsub.f32 v4, v3  }
0x159: {  	v2 =	vnsel vm0, $0x1869E, v2  }
0x15a: {  	v1 =	vmul.f32 v1, v4;
	v4 =	vadd.s32 $0x1, v2;
	_ =	sdelay $0x1  }
0x15b: {  	v1 =	vadd.f32 v1, v3;
	_ =	sdelay $0x1  }
0x15c: {  	[tilespmem:s24+$0x1C6A0] =	vst v1  }
0x15d: {  	v1 =	vld.idx.msk [tilespmem:v4+s3+$0x0], $0xffff  }
0x15e: {  	v3 =	vld.idx.msk [tilespmem:v2+s3+$0x0], $0xffff;
	_ =	sdelay $0x2  }
0x15f: {  	v2 =	vcvt.s32.f32 v2;
	_ =	sdelay $0x1  }
0x160: {  	v0 =	vsub.f32 v0, v2;
	v1 =	vsub.f32 v1, v3;
	_ =	sdelay $0x1  }
0x161: {  	v0 =	vmul.f32 v0, v1;
	_ =	sdelay $0x1  }
0x162: {  	v0 =	vadd.f32 v0, v3;
	_ =	sdelay $0x1  }
0x163: {  	s31 =	simm.s32 $0x0;
	s23 =	simm.s32 $0x0;
	[tilespmem:s24+$0x1C6B0] =	vst v0  }
0x164: {  	[hbm4b:s10+s31] =	stream.linear.scatter [tilespmem:s18], [sflag:$0x3], $0x1000, $0x38;
	[tilespmem:$0x1E6A0] =	vst v63  }
0x165: {  	v0 =	vld [tilespmem:s23+$0x196A0];
	_ =	sdelay $0x4  }
0x166: {  	v1 =	vtrunc.f32 v0  }
0x167: {  	v1 =	vcvt.f32.s32 v1;
	_ =	sdelay $0x1  }
0x168: {  	vm0 =	vlt.s32 v1, $0x1869E  }
0x169: {  	v1 =	vnsel vm0, $0x1869E, v1  }
0x16a: {  	v2 =	vadd.s32 $0x1, v1;
	_ =	sdelay $0x1  }
0x16b: {  	v4 =	vld [tilespmem:s23+$0x196B0];
	_ =	sdelay $0x1  }
0x16c: {  	v3 =	vld.idx.msk [tilespmem:v1+s3+$0x0], $0xffff  }
0x16d: {  	v2 =	vld.idx.msk [tilespmem:v2+s3+$0x0], $0xffff;
	_ =	sdelay $0x1  }
0x16e: {  	v5 =	vtrunc.f32 v4  }
0x16f: {  	v5 =	vcvt.f32.s32 v5;
	v1 =	vcvt.s32.f32 v1;
	_ =	sdelay $0x1  }
0x170: {  	vm0 =	vlt.s32 v5, $0x1869E;
	v0 =	vsub.f32 v0, v1;
	v1 =	vsub.f32 v2, v3  }
0x171: {  	v2 =	vnsel vm0, $0x1869E, v5  }
0x172: {  	v5 =	vadd.s32 $0x1, v2;
	v0 =	vmul.f32 v0, v1;
	_ =	sdelay $0x1  }
0x173: {  	v0 =	vadd.f32 v0, v3  }
0x174: {  	s24 =	simm.s32 $0x20  }
0x175: {  	v1 =	vld [tilespmem:s24+$0x196A0];
	[tilespmem:s23+$0x1D6A0] =	vst v0  }
0x176: {  	v5 =	vld.idx.msk [tilespmem:v5+s3+$0x0], $0xffff  }
0x177: {  	v3 =	vld.idx.msk [tilespmem:v2+s3+$0x0], $0xffff  }
0x178: {  	v0 =	vld [tilespmem:s24+$0x196B0];
	_ =	sdelay $0x2  }
0x179: {  	v2 =	vcvt.s32.f32 v2;
	v6 =	vtrunc.f32 v1  }
0x17a: {  	v6 =	vcvt.f32.s32 v6  }
0x17b: {  	v7 =	vsub.f32 v4, v2;
	v2 =	vtrunc.f32 v0;
	v5 =	vsub.f32 v5, v3  }
0x17c: {  	vm0 =	vlt.s32 v6, $0x1869E;
	v2 =	vcvt.f32.s32 v2  }
0x17d: {  	v4 =	vnsel vm0, $0x1869E, v6;
	v7 =	vmul.f32 v7, v5  }
0x17e: {  	s25 =	simm.s32 $0x100;
	v6 =	vcvt.s32.f32 v4;
	v5 =	vadd.s32 $0x1, v4;
	vm0 =	vlt.s32 v2, $0x1869E  }
.LBB2_12:
0x17f: {  	p0 =	sne.s32 s25, $0x3F80;
	v3 =	vadd.f32 v7, v3;
	s26 =	smov.u32 s25;
	s25 =	sadd.s32 $0x80, s25  }
0x180: {  	v1 =	vsub.f32 v1, v6  }
0x181: {  	[tilespmem:s23+$0x1D6B0] =	vst v3;
	s23 =	smov.u32 s24  }
0x182: {  	v3 =	vld.idx.msk [tilespmem:v4+s3+$0x0], $0xffff  }
0x183: {  	v4 =	vld.idx.msk [tilespmem:v5+s3+$0x0], $0xffff;
	_ =	sdelay $0x5  }
0x184: {  	v4 =	vsub.f32 v4, v3  }
0x185: {  	v2 =	vnsel vm0, $0x1869E, v2  }
0x186: {  	v5 =	vadd.s32 $0x1, v2;
	v1 =	vmul.f32 v1, v4;
	v4 =	vcvt.s32.f32 v2;
	_ =	sdelay $0x1  }
0x187: {  	v3 =	vadd.f32 v1, v3;
	v6 =	vsub.f32 v0, v4  }
0x188: {  	s24 =	sshra.s32 s26, $0x2  }
0x189: {  	v1 =	vld [tilespmem:s24+$0x196A0];
	[tilespmem:s23+$0x1D6A0] =	vst v3  }
0x18a: {  	v4 =	vld.idx.msk [tilespmem:v5+s3+$0x0], $0xffff  }
0x18b: {  	v3 =	vld.idx.msk [tilespmem:v2+s3+$0x0], $0xffff  }
0x18c: {  	v0 =	vld [tilespmem:s24+$0x196B0];
	_ =	sdelay $0x2  }
0x18d: {  	v2 =	vtrunc.f32 v1  }
.Ltmp5:
0x18e: {  	v5 =	vcvt.f32.s32 v2;
	(pc) =	sbr.rel @p0 .LBB2_12-.Ltmp5, $4  }
0x18f: {  	v7 =	vsub.f32 v4, v3;
	v2 =	vtrunc.f32 v0  }
0x190: {  	vm0 =	vlt.s32 v5, $0x1869E;
	v2 =	vcvt.f32.s32 v2  }
0x191: {  	v4 =	vnsel vm0, $0x1869E, v5;
	v7 =	vmul.f32 v6, v7  }
0x192: {  	v6 =	vcvt.s32.f32 v4;
	v5 =	vadd.s32 $0x1, v4;
	vm0 =	vlt.s32 v2, $0x1869E  }
0x193: {  	_ = 	snop  }
0x194: {  	v3 =	vadd.f32 v7, v3;
	_ =	sdelay $0x1  }
0x195: {  	[tilespmem:s23+$0x1D6B0] =	vst v3  }
0x196: {  	v3 =	vld.idx.msk [tilespmem:v4+s3+$0x0], $0xffff  }
0x197: {  	v4 =	vld.idx.msk [tilespmem:v5+s3+$0x0], $0xffff;
	_ =	sdelay $0x4  }
0x198: {  	v1 =	vsub.f32 v1, v6;
	v4 =	vsub.f32 v4, v3  }
0x199: {  	v2 =	vnsel vm0, $0x1869E, v2  }
0x19a: {  	v1 =	vmul.f32 v1, v4;
	v4 =	vadd.s32 $0x1, v2;
	_ =	sdelay $0x1  }
0x19b: {  	v1 =	vadd.f32 v1, v3;
	_ =	sdelay $0x1  }
0x19c: {  	[tilespmem:s24+$0x1D6A0] =	vst v1  }
0x19d: {  	v1 =	vld.idx.msk [tilespmem:v4+s3+$0x0], $0xffff  }
0x19e: {  	v3 =	vld.idx.msk [tilespmem:v2+s3+$0x0], $0xffff;
	_ =	sdelay $0x2  }
0x19f: {  	v2 =	vcvt.s32.f32 v2;
	_ =	sdelay $0x1  }
0x1a0: {  	v0 =	vsub.f32 v0, v2;
	v1 =	vsub.f32 v1, v3;
	_ =	sdelay $0x1  }
0x1a1: {  	v0 =	vmul.f32 v0, v1;
	_ =	sdelay $0x1  }
0x1a2: {  	v0 =	vadd.f32 v0, v3;
	_ =	sdelay $0x1  }
0x1a3: {  	s31 =	simm.s32 $0x0;
	[tilespmem:s24+$0x1D6B0] =	vst v0  }
0x1a4: {  	[hbm4b:s11+s31] =	stream.linear.scatter [tilespmem:s19], [sflag:$0x4], $0x1000, $0x38;
	[tilespmem:$0x1E6A0] =	vst v63  }
0x1a5: {  	_ =	swait.ge [sflag:s20], $0x1000  }
0x1a6: {  	[sflag:s20] =	ssyncset.done $0x0  }
0x1a7: {  	s23 =	simm.s32 $0x0;
	[sflag:s20] =	ssyncadd.s32 $0xFFFFF000  }
0x1a8: {  	v0 =	vld [tilespmem:s23+$0x1A6A0];
	_ =	sdelay $0x4  }
0x1a9: {  	v1 =	vtrunc.f32 v0  }
0x1aa: {  	v1 =	vcvt.f32.s32 v1;
	_ =	sdelay $0x1  }
0x1ab: {  	vm0 =	vlt.s32 v1, $0x1869E  }
0x1ac: {  	v1 =	vnsel vm0, $0x1869E, v1  }
0x1ad: {  	v2 =	vadd.s32 $0x1, v1;
	_ =	sdelay $0x1  }
0x1ae: {  	v4 =	vld [tilespmem:s23+$0x1A6B0];
	_ =	sdelay $0x1  }
0x1af: {  	v3 =	vld.idx.msk [tilespmem:v1+s3+$0x0], $0xffff  }
0x1b0: {  	v2 =	vld.idx.msk [tilespmem:v2+s3+$0x0], $0xffff;
	_ =	sdelay $0x1  }
0x1b1: {  	v5 =	vtrunc.f32 v4  }
0x1b2: {  	v5 =	vcvt.f32.s32 v5;
	v1 =	vcvt.s32.f32 v1;
	_ =	sdelay $0x1  }
0x1b3: {  	vm0 =	vlt.s32 v5, $0x1869E;
	v0 =	vsub.f32 v0, v1;
	v1 =	vsub.f32 v2, v3  }
0x1b4: {  	v2 =	vnsel vm0, $0x1869E, v5  }
0x1b5: {  	v5 =	vadd.s32 $0x1, v2;
	v0 =	vmul.f32 v0, v1;
	_ =	sdelay $0x1  }
0x1b6: {  	v0 =	vadd.f32 v0, v3  }
0x1b7: {  	s24 =	simm.s32 $0x20  }
0x1b8: {  	v1 =	vld [tilespmem:s24+$0x1A6A0];
	[tilespmem:s23+$0x1C6A0] =	vst v0  }
0x1b9: {  	v5 =	vld.idx.msk [tilespmem:v5+s3+$0x0], $0xffff  }
0x1ba: {  	v3 =	vld.idx.msk [tilespmem:v2+s3+$0x0], $0xffff  }
0x1bb: {  	v0 =	vld [tilespmem:s24+$0x1A6B0];
	_ =	sdelay $0x2  }
0x1bc: {  	v2 =	vcvt.s32.f32 v2;
	v6 =	vtrunc.f32 v1  }
0x1bd: {  	v6 =	vcvt.f32.s32 v6  }
0x1be: {  	v7 =	vsub.f32 v4, v2;
	v2 =	vtrunc.f32 v0;
	v5 =	vsub.f32 v5, v3  }
0x1bf: {  	vm0 =	vlt.s32 v6, $0x1869E;
	v2 =	vcvt.f32.s32 v2  }
0x1c0: {  	v4 =	vnsel vm0, $0x1869E, v6;
	v7 =	vmul.f32 v7, v5  }
0x1c1: {  	s25 =	simm.s32 $0x100;
	v6 =	vcvt.s32.f32 v4;
	v5 =	vadd.s32 $0x1, v4;
	vm0 =	vlt.s32 v2, $0x1869E  }
.LBB2_14:
0x1c2: {  	p0 =	sne.s32 s25, $0x3F80;
	v3 =	vadd.f32 v7, v3;
	s26 =	smov.u32 s25;
	s25 =	sadd.s32 $0x80, s25  }
0x1c3: {  	v1 =	vsub.f32 v1, v6  }
0x1c4: {  	[tilespmem:s23+$0x1C6B0] =	vst v3;
	s23 =	smov.u32 s24  }
0x1c5: {  	v3 =	vld.idx.msk [tilespmem:v4+s3+$0x0], $0xffff  }
0x1c6: {  	v4 =	vld.idx.msk [tilespmem:v5+s3+$0x0], $0xffff;
	_ =	sdelay $0x5  }
0x1c7: {  	v4 =	vsub.f32 v4, v3  }
0x1c8: {  	v2 =	vnsel vm0, $0x1869E, v2  }
0x1c9: {  	v5 =	vadd.s32 $0x1, v2;
	v1 =	vmul.f32 v1, v4;
	v4 =	vcvt.s32.f32 v2;
	_ =	sdelay $0x1  }
0x1ca: {  	v3 =	vadd.f32 v1, v3;
	v6 =	vsub.f32 v0, v4  }
0x1cb: {  	s24 =	sshra.s32 s26, $0x2  }
0x1cc: {  	v1 =	vld [tilespmem:s24+$0x1A6A0];
	[tilespmem:s23+$0x1C6A0] =	vst v3  }
0x1cd: {  	v4 =	vld.idx.msk [tilespmem:v5+s3+$0x0], $0xffff  }
0x1ce: {  	v3 =	vld.idx.msk [tilespmem:v2+s3+$0x0], $0xffff  }
0x1cf: {  	v0 =	vld [tilespmem:s24+$0x1A6B0];
	_ =	sdelay $0x2  }
0x1d0: {  	v2 =	vtrunc.f32 v1  }
.Ltmp6:
0x1d1: {  	v5 =	vcvt.f32.s32 v2;
	(pc) =	sbr.rel @p0 .LBB2_14-.Ltmp6, $4  }
0x1d2: {  	v7 =	vsub.f32 v4, v3;
	v2 =	vtrunc.f32 v0  }
0x1d3: {  	vm0 =	vlt.s32 v5, $0x1869E;
	v2 =	vcvt.f32.s32 v2  }
0x1d4: {  	v4 =	vnsel vm0, $0x1869E, v5;
	v7 =	vmul.f32 v6, v7  }
0x1d5: {  	v6 =	vcvt.s32.f32 v4;
	v5 =	vadd.s32 $0x1, v4;
	vm0 =	vlt.s32 v2, $0x1869E  }
0x1d6: {  	_ = 	snop  }
0x1d7: {  	v3 =	vadd.f32 v7, v3;
	_ =	sdelay $0x1  }
0x1d8: {  	[tilespmem:s23+$0x1C6B0] =	vst v3  }
0x1d9: {  	v3 =	vld.idx.msk [tilespmem:v4+s3+$0x0], $0xffff  }
0x1da: {  	v4 =	vld.idx.msk [tilespmem:v5+s3+$0x0], $0xffff;
	_ =	sdelay $0x4  }
0x1db: {  	v1 =	vsub.f32 v1, v6;
	v4 =	vsub.f32 v4, v3  }
0x1dc: {  	v2 =	vnsel vm0, $0x1869E, v2  }
0x1dd: {  	v1 =	vmul.f32 v1, v4;
	v4 =	vadd.s32 $0x1, v2;
	_ =	sdelay $0x1  }
0x1de: {  	v1 =	vadd.f32 v1, v3;
	_ =	sdelay $0x1  }
0x1df: {  	[tilespmem:s24+$0x1C6A0] =	vst v1  }
0x1e0: {  	v1 =	vld.idx.msk [tilespmem:v4+s3+$0x0], $0xffff  }
0x1e1: {  	v3 =	vld.idx.msk [tilespmem:v2+s3+$0x0], $0xffff;
	_ =	sdelay $0x2  }
0x1e2: {  	v2 =	vcvt.s32.f32 v2;
	_ =	sdelay $0x1  }
0x1e3: {  	v0 =	vsub.f32 v0, v2;
	v1 =	vsub.f32 v1, v3;
	_ =	sdelay $0x1  }
0x1e4: {  	v0 =	vmul.f32 v0, v1;
	_ =	sdelay $0x1  }
0x1e5: {  	v0 =	vadd.f32 v0, v3;
	_ =	sdelay $0x1  }
0x1e6: {  	s31 =	simm.s32 $0x0;
	[tilespmem:s24+$0x1C6B0] =	vst v0  }
0x1e7: {  	[hbm4b:s12+s31] =	stream.linear.scatter [tilespmem:s18], [sflag:$0x3], $0x1000, $0x38;
	[tilespmem:$0x1E6A0] =	vst v63  }
0x1e8: {  	_ =	swait.ge [sflag:s21], $0x1000  }
0x1e9: {  	[sflag:s21] =	ssyncset.done $0x0  }
0x1ea: {  	s23 =	simm.s32 $0x0;
	[sflag:s21] =	ssyncadd.s32 $0xFFFFF000  }
0x1eb: {  	v0 =	vld [tilespmem:s23+$0x1B6A0];
	_ =	sdelay $0x4  }
0x1ec: {  	v1 =	vtrunc.f32 v0  }
0x1ed: {  	v1 =	vcvt.f32.s32 v1;
	_ =	sdelay $0x1  }
0x1ee: {  	vm0 =	vlt.s32 v1, $0x1869E  }
0x1ef: {  	v1 =	vnsel vm0, $0x1869E, v1  }
0x1f0: {  	v2 =	vadd.s32 $0x1, v1;
	_ =	sdelay $0x1  }
0x1f1: {  	v4 =	vld [tilespmem:s23+$0x1B6B0];
	_ =	sdelay $0x1  }
0x1f2: {  	v3 =	vld.idx.msk [tilespmem:v1+s3+$0x0], $0xffff  }
0x1f3: {  	v2 =	vld.idx.msk [tilespmem:v2+s3+$0x0], $0xffff;
	_ =	sdelay $0x1  }
0x1f4: {  	v5 =	vtrunc.f32 v4  }
0x1f5: {  	v5 =	vcvt.f32.s32 v5;
	v1 =	vcvt.s32.f32 v1;
	_ =	sdelay $0x1  }
0x1f6: {  	vm0 =	vlt.s32 v5, $0x1869E;
	v0 =	vsub.f32 v0, v1;
	v1 =	vsub.f32 v2, v3  }
0x1f7: {  	v2 =	vnsel vm0, $0x1869E, v5  }
0x1f8: {  	v5 =	vadd.s32 $0x1, v2;
	v0 =	vmul.f32 v0, v1;
	_ =	sdelay $0x1  }
0x1f9: {  	v0 =	vadd.f32 v0, v3  }
0x1fa: {  	s24 =	simm.s32 $0x20  }
0x1fb: {  	v1 =	vld [tilespmem:s24+$0x1B6A0];
	[tilespmem:s23+$0x1D6A0] =	vst v0  }
0x1fc: {  	v5 =	vld.idx.msk [tilespmem:v5+s3+$0x0], $0xffff  }
0x1fd: {  	v3 =	vld.idx.msk [tilespmem:v2+s3+$0x0], $0xffff  }
0x1fe: {  	v0 =	vld [tilespmem:s24+$0x1B6B0];
	_ =	sdelay $0x2  }
0x1ff: {  	v2 =	vcvt.s32.f32 v2;
	v6 =	vtrunc.f32 v1  }
0x200: {  	v6 =	vcvt.f32.s32 v6  }
0x201: {  	v7 =	vsub.f32 v4, v2;
	v2 =	vtrunc.f32 v0;
	v5 =	vsub.f32 v5, v3  }
0x202: {  	vm0 =	vlt.s32 v6, $0x1869E;
	v2 =	vcvt.f32.s32 v2  }
0x203: {  	v4 =	vnsel vm0, $0x1869E, v6;
	v7 =	vmul.f32 v7, v5  }
0x204: {  	s25 =	simm.s32 $0x100;
	v6 =	vcvt.s32.f32 v4;
	v5 =	vadd.s32 $0x1, v4;
	vm0 =	vlt.s32 v2, $0x1869E  }
.LBB2_16:
0x205: {  	p0 =	sne.s32 s25, $0x3F80;
	v3 =	vadd.f32 v7, v3;
	s26 =	smov.u32 s25;
	s25 =	sadd.s32 $0x80, s25  }
0x206: {  	v1 =	vsub.f32 v1, v6  }
0x207: {  	[tilespmem:s23+$0x1D6B0] =	vst v3;
	s23 =	smov.u32 s24  }
0x208: {  	v3 =	vld.idx.msk [tilespmem:v4+s3+$0x0], $0xffff  }
0x209: {  	v4 =	vld.idx.msk [tilespmem:v5+s3+$0x0], $0xffff;
	_ =	sdelay $0x5  }
0x20a: {  	v4 =	vsub.f32 v4, v3  }
0x20b: {  	v2 =	vnsel vm0, $0x1869E, v2  }
0x20c: {  	v5 =	vadd.s32 $0x1, v2;
	v1 =	vmul.f32 v1, v4;
	v4 =	vcvt.s32.f32 v2;
	_ =	sdelay $0x1  }
0x20d: {  	v3 =	vadd.f32 v1, v3;
	v6 =	vsub.f32 v0, v4  }
0x20e: {  	s24 =	sshra.s32 s26, $0x2  }
0x20f: {  	v1 =	vld [tilespmem:s24+$0x1B6A0];
	[tilespmem:s23+$0x1D6A0] =	vst v3  }
0x210: {  	v4 =	vld.idx.msk [tilespmem:v5+s3+$0x0], $0xffff  }
0x211: {  	v3 =	vld.idx.msk [tilespmem:v2+s3+$0x0], $0xffff  }
0x212: {  	v0 =	vld [tilespmem:s24+$0x1B6B0];
	_ =	sdelay $0x2  }
0x213: {  	v2 =	vtrunc.f32 v1  }
.Ltmp7:
0x214: {  	v5 =	vcvt.f32.s32 v2;
	(pc) =	sbr.rel @p0 .LBB2_16-.Ltmp7, $4  }
0x215: {  	v7 =	vsub.f32 v4, v3;
	v2 =	vtrunc.f32 v0  }
0x216: {  	vm0 =	vlt.s32 v5, $0x1869E;
	v2 =	vcvt.f32.s32 v2  }
0x217: {  	v4 =	vnsel vm0, $0x1869E, v5;
	v7 =	vmul.f32 v6, v7  }
0x218: {  	v6 =	vcvt.s32.f32 v4;
	v5 =	vadd.s32 $0x1, v4;
	vm0 =	vlt.s32 v2, $0x1869E  }
0x219: {  	_ = 	snop  }
0x21a: {  	v3 =	vadd.f32 v7, v3;
	_ =	sdelay $0x1  }
0x21b: {  	[tilespmem:s23+$0x1D6B0] =	vst v3  }
0x21c: {  	v3 =	vld.idx.msk [tilespmem:v4+s3+$0x0], $0xffff  }
0x21d: {  	v61 =	vld.idx.msk [tilespmem:v5+s3+$0x0], $0xffff;
	_ =	sdelay $0x4  }
0x21e: {  	v1 =	vsub.f32 v1, v6;
	v4 =	vsub.f32 v61, v3  }
0x21f: {  	v2 =	vnsel vm0, $0x1869E, v2  }
0x220: {  	v62 =	vadd.s32 $0x1, v2;
	v1 =	vmul.f32 v1, v4;
	_ =	sdelay $0x1  }
0x221: {  	v1 =	vadd.f32 v1, v3;
	_ =	sdelay $0x1  }
0x222: {  	[tilespmem:s24+$0x1D6A0] =	vst v1  }
0x223: {  	v1 =	vld.idx.msk [tilespmem:v62+s3+$0x0], $0xffff  }
0x224: {  	v63 =	vld.idx.msk [tilespmem:v2+s3+$0x0], $0xffff;
	_ =	sdelay $0x2  }
0x225: {  	v2 =	vcvt.s32.f32 v2;
	_ =	sdelay $0x1  }
0x226: {  	v0 =	vsub.f32 v0, v2;
	v1 =	vsub.f32 v1, v63;
	_ =	sdelay $0x1  }
0x227: {  	v0 =	vmul.f32 v0, v1;
	_ =	sdelay $0x1  }
0x228: {  	v0 =	vadd.f32 v0, v63;
	_ =	sdelay $0x1  }
0x229: {  	[tilespmem:s24+$0x1D6B0] =	vst v0  }
0x22a: {  	[hbm4b:s13+s3] =	stream.linear.scatter [tilespmem:s19], [sflag:$0x4], $0x1000, $0x38;
	[tilespmem:$0x1E6A0] =	vst v63  }
0x22b: {  	_ =	swait.ge [sflag:s20], $0x1000  }
0x22c: {  	[sflag:s20] =	ssyncset.done $0x0  }
0x22d: {  	[sflag:s20] =	ssyncadd.s32 $0xFFFFF000  }
0x22e: {  	_ =	swait.ge [sflag:s21], $0x1000  }
0x22f: {  	[sflag:s21] =	ssyncset.done $0x0  }
0x230: {  	s22 =	sadd.s32 $0x1, s22;
	[sflag:s21] =	ssyncadd.s32 $0xFFFFF000  }
0x231: {  	p0 =	sne.s32 s22, s14;
	_ =	swait.ge [sflag:s20], $0x1000  }
.Ltmp8:
0x232: {  	[sflag:s20] =	ssyncset.done $0x0;
	(pc) =	sbr.rel @p0 .LBB2_1-.Ltmp8, $4  }
0x233: {  	[sflag:s20] =	ssyncadd.s32 $0xFFFFF000  }
0x234: {  	_ =	swait.ge [sflag:s21], $0x1000  }
0x235: {  	[sflag:s21] =	ssyncset.done $0x0  }
0x236: {  	[sflag:s21] =	ssyncadd.s32 $0xFFFFF000  }
0x237: {  	_ =	sfence.sel $0x180000  }
0x238: {  	[bflag:$0x0] =	sbarrier.arrive $0xFFFF  }
0x239: {  	p0 =	sne.s32 s1, $0x0;
	_ =	strace $0x90000047  }
0x23a: {  	s0 =	sadd.s32 @!p0 $0x100000, s0;
	[bflag:$0x2] =	sbarrier.arrive $0xFFFF  }
0x23b: {  	[sflag:s0] =	ssyncadd.tile.s32 @!p0 $0x1;
	_ =	shalt  }
.Lfunc_end2:
_tile_overlayer_lowered:
.L_overlay_start_2:
0x23c: {  	(tag) =	ssettag $0x2  }
0x23d: {  	s0 =	rddreg [dreg:$0x0];
	s2 =	stileid.u32  }
0x23e: {  	s1 =	rddreg [dreg:$0x1];
	p0 =	sne.s32 s2, $0x0  }
0x23f: {  	s3 =	rddreg [dreg:$0x2];
	[bflag:$0x3] =	sbarrier.arrive $0xFFFF;
	s2 =	simm.s32 @!p0 $0x1C05  }
0x240: {  	[timem:s3], [sflag:s2] =	dma.local @!p0 [hbm:s0], s1  }
0x241: {  	s0 =	simm.s32 @!p0 $0x5  }
0x242: {  	_ =	swait.ge @!p0 [sflag:s0], s1  }
0x243: {  	s1 =	ssub.s32 @!p0 $0x0, s1;
	[sflag:s0] =	ssyncset.done @!p0 $0x0  }
0x244: {  	[sflag:s0] =	ssyncadd.s32 @!p0 s1  }
0x245: {  	[bflag:$0x3] =	sbarrier.arrive $0xFFFF  }
0x246: {  	_ =	shalt  }

</sc_bundles>
